<compile_context>
chip_gen: v7x
topology: tpu7x:2x2x1
jax: 0.10.2.dev20260603
libtpu: 0.0.44.dev20260713+nightly
codegen_flags: <defaults>
</compile_context>

<pallas_src>
import functools

import jax
import jax.numpy as jnp
from jax import lax
from jax.experimental import pallas as pl
from jax.experimental.pallas import tpu as pltpu
from jax.experimental.pallas import tpu_sc as plsc

B, C, K, HW = 32, 2, 128, 16384
NS = 16
BPW = B // NS
L = 16
NCHUNK = K // L

_mesh = plsc.VectorSubcoreMesh(
    core_axis_name="c", subcore_axis_name="s", num_cores=1, num_subcores=NS)


@functools.partial(
    pl.kernel,
    out_type=[jax.ShapeDtypeStruct((L,), jnp.float32),
              jax.ShapeDtypeStruct((2 * NS, 2 * L), jnp.float32)],
    mesh=_mesh,
    scratch_types=[
        pltpu.VMEM((K,), jnp.int32),
        pltpu.VMEM((K,), jnp.int32),
        pltpu.VMEM((K,), jnp.int32),
        pltpu.VMEM((K,), jnp.int32),
        pltpu.VMEM((K,), jnp.int32),
        pltpu.VMEM((K,), jnp.int32),
        pltpu.VMEM((K,), jnp.float32),
        pltpu.VMEM((K,), jnp.float32),
        pltpu.VMEM((K,), jnp.float32),
        pltpu.VMEM((K,), jnp.float32),
        pltpu.VMEM((K,), jnp.float32),
        pltpu.VMEM((K,), jnp.float32),
        pltpu.VMEM((K,), jnp.float32),
        pltpu.VMEM((K,), jnp.float32),
        pltpu.VMEM((2 * NS, 2 * L), jnp.float32),
        pltpu.VMEM((1, 2 * L), jnp.float32),
        pltpu.VMEM((1, 2 * L), jnp.float32),
        pltpu.VMEM((L,), jnp.float32),
        pltpu.SemaphoreType.DMA,
        pltpu.SemaphoreType.DMA,
        pltpu.SemaphoreType.DMA,
        pltpu.SemaphoreType.DMA,
        pltpu.SemaphoreType.DMA,
    ],
)
def _l1_sc(pred_hbm, ind_hbm, mask_hbm, gt_hbm, out_hbm, part_hbm,
           ind_v0, ind_v1, mask_v0, mask_v1, gidx0, gidx1,
           p00, p01, p10, p11, g00, g01, g10, g11,
           allpart, stage0, stage1, outbuf,
           sem_i0, sem_i1, sem_g0, sem_g1, sem_p):
    w = lax.axis_index("s")
    iota = lax.iota(jnp.int32, L)
    b0 = w * BPW
    b1 = b0 + 1

    cin0 = pltpu.async_copy(ind_hbm.at[pl.ds(b0 * K, K)], ind_v0, sem_i0)
    cin1 = pltpu.async_copy(ind_hbm.at[pl.ds(b1 * K, K)], ind_v1, sem_i1)
    cm0 = pltpu.async_copy(mask_hbm.at[pl.ds(b0 * K, K)], mask_v0, sem_g0)
    cm1 = pltpu.async_copy(mask_hbm.at[pl.ds(b1 * K, K)], mask_v1, sem_g1)

    for j in range(NCHUNK):
        ev = (iota + j * L) * 2
        gidx0[pl.ds(j * L, L)] = ev
        gidx1[pl.ds(j * L, L)] = ev + 1

    cg00 = pltpu.async_copy(gt_hbm.at[pl.ds(b0 * K * C, K * C)].at[gidx0], g00, sem_g0)
    cg01 = pltpu.async_copy(gt_hbm.at[pl.ds(b0 * K * C, K * C)].at[gidx1], g01, sem_g0)
    cg10 = pltpu.async_copy(gt_hbm.at[pl.ds(b1 * K * C, K * C)].at[gidx0], g10, sem_g1)
    cg11 = pltpu.async_copy(gt_hbm.at[pl.ds(b1 * K * C, K * C)].at[gidx1], g11, sem_g1)

    cin0.wait()
    cp00 = pltpu.async_copy(pred_hbm.at[pl.ds(b0 * C * HW, HW)].at[ind_v0], p00, sem_g0)
    cp01 = pltpu.async_copy(pred_hbm.at[pl.ds(b0 * C * HW + HW, HW)].at[ind_v0], p01, sem_g0)
    cin1.wait()
    cp10 = pltpu.async_copy(pred_hbm.at[pl.ds(b1 * C * HW, HW)].at[ind_v1], p10, sem_g1)
    cp11 = pltpu.async_copy(pred_hbm.at[pl.ds(b1 * C * HW + HW, HW)].at[ind_v1], p11, sem_g1)

    accn = jnp.zeros((L,), jnp.float32)
    accd = jnp.zeros((L,), jnp.float32)

    cm0.wait()
    cg00.wait()
    cg01.wait()
    cp00.wait()
    cp01.wait()
    for j in range(NCHUNK):
        sl = pl.ds(j * L, L)
        m = mask_v0[sl].astype(jnp.float32)
        accn = accn + m * (jnp.abs(p00[sl] - g00[sl]) + jnp.abs(p01[sl] - g01[sl]))
        accd = accd + m

    stage0[0, pl.ds(0, L)] = accn
    stage0[0, pl.ds(L, L)] = accd
    cpub0 = pltpu.async_copy(stage0, part_hbm.at[pl.ds(w, 1)], sem_p)
    accn = jnp.zeros((L,), jnp.float32)
    accd = jnp.zeros((L,), jnp.float32)

    cm1.wait()
    cg10.wait()
    cg11.wait()
    cp10.wait()
    cp11.wait()
    for j in range(NCHUNK):
        sl = pl.ds(j * L, L)
        m = mask_v1[sl].astype(jnp.float32)
        accn = accn + m * (jnp.abs(p10[sl] - g10[sl]) + jnp.abs(p11[sl] - g11[sl]))
        accd = accd + m

    stage1[0, pl.ds(0, L)] = accn
    stage1[0, pl.ds(L, L)] = accd
    pltpu.sync_copy(stage1, part_hbm.at[pl.ds(NS + w, 1)])
    cpub0.wait()
    plsc.subcore_barrier()

    @pl.when(w == 0)
    def _finalize():
        pltpu.sync_copy(part_hbm, allpart)
        sn = jnp.zeros((L,), jnp.float32)
        sd = jnp.zeros((L,), jnp.float32)
        for i in range(2 * NS):
            sn += allpart[i, pl.ds(0, L)]
            sd += allpart[i, pl.ds(L, L)]
        num = sn[0]
        den = sd[0]
        for i in range(1, L):
            num = num + sn[i]
            den = den + sd[i]
        numv = jnp.broadcast_to(num, (L,))
        denv = jnp.broadcast_to(den, (L,))
        outbuf[pl.ds(0, L)] = numv / (2.0 * denv + 1e-4)
        pltpu.sync_copy(outbuf, out_hbm)


def kernel(pred, mask, ind, gt):
    pred_flat = pred.reshape(B * C * HW)
    ind32 = ind.astype(jnp.int32).reshape(B * K)
    mask32 = mask.astype(jnp.int32).reshape(B * K)
    gt_flat = gt.reshape(B * K * C)
    out, _ = _l1_sc(pred_flat, ind32, mask32, gt_flat)
    return out[0]

# --- scband reference (transcript-rebuilt; emitter-appended) ---
"""Pipeline reference for scband-regression-l1-loss-16338055594665 (READ-ONLY COPY).

The authoritative reference and input builder live on the scoring server;
editing this copy changes nothing except your own understanding.
"""

import jax, jax.numpy as jnp
import numpy as np


def _transpose_and_gather_feat(feat, ind):
    # feat: [B, C, H, W] -> [B, H*W, C], then gather along dim 1 at ind [B, K]
    B, C, H, W = feat.shape
    feat = jnp.transpose(feat, (0, 2, 3, 1)).reshape(B, H * W, C)
    K = ind.shape[1]
    idx = jnp.broadcast_to(ind[:, :, None], (B, K, C))
    return jnp.take_along_axis(feat, idx, axis=1)


def setup_inputs(seed: int = 0) -> dict:
    key = jax.random.key(seed)
    k1, k2, k3, k4 = jax.random.split(key, 4)
    pred = jax.random.normal(k1, (32, 2, 128, 128), dtype=jnp.float32)
    mask = jax.random.randint(k2, (32, 128), 0, 2).astype(jnp.int32)
    ind = jax.random.randint(k3, (32, 128), 0, 16384).astype(jnp.int64)
    gt = jax.random.normal(k4, (32, 128, 2), dtype=jnp.float32)
    return {"pred": pred, "mask": mask, "ind": ind, "gt": gt}


def reference(pred, mask, ind, gt):
    p = _transpose_and_gather_feat(pred, ind)          # [B, K, C]
    m = jnp.broadcast_to(mask[:, :, None].astype(jnp.float32), p.shape)  # [B, K, C]
    loss = jnp.sum(jnp.abs(p * m - gt * m))            # l1_loss reduction='sum'
    loss = loss / (jnp.sum(m) + 0.0001)
    return loss

if __name__ == "__main__":
    import jax
    _d = setup_inputs()
    print(jax.jit(kernel)(*tuple(_d.values())))

</pallas_src>

<mosaic_0001>
#map = affine_map<(d0, d1) -> (0)>
#map1 = affine_map<(d0, d1) -> (0, 0)>
module attributes {stable_mosaic.version = 14 : i64} {
  func.func @_l1_sc(%arg0: i32, %arg1: i32, %arg2: memref<1048576xf32, #tpu.memory_space<hbm>>, %arg3: memref<4096xi32, #tpu.memory_space<hbm>>, %arg4: memref<4096xi32, #tpu.memory_space<hbm>>, %arg5: memref<8192xf32, #tpu.memory_space<hbm>>, %arg6: memref<16xf32, #tpu.memory_space<hbm>>, %arg7: memref<32x32xf32, #tpu.memory_space<hbm>>, %arg8: memref<128xi32, #tpu.memory_space<vmem>>, %arg9: memref<128xi32, #tpu.memory_space<vmem>>, %arg10: memref<128xi32, #tpu.memory_space<vmem>>, %arg11: memref<128xi32, #tpu.memory_space<vmem>>, %arg12: memref<128xi32, #tpu.memory_space<vmem>>, %arg13: memref<128xi32, #tpu.memory_space<vmem>>, %arg14: memref<128xf32, #tpu.memory_space<vmem>>, %arg15: memref<128xf32, #tpu.memory_space<vmem>>, %arg16: memref<128xf32, #tpu.memory_space<vmem>>, %arg17: memref<128xf32, #tpu.memory_space<vmem>>, %arg18: memref<128xf32, #tpu.memory_space<vmem>>, %arg19: memref<128xf32, #tpu.memory_space<vmem>>, %arg20: memref<128xf32, #tpu.memory_space<vmem>>, %arg21: memref<128xf32, #tpu.memory_space<vmem>>, %arg22: memref<32x32xf32, #tpu.memory_space<vmem>>, %arg23: memref<1x32xf32, #tpu.memory_space<vmem>>, %arg24: memref<1x32xf32, #tpu.memory_space<vmem>>, %arg25: memref<16xf32, #tpu.memory_space<vmem>>, %arg26: memref<!tpu.dma_semaphore, #tpu.memory_space<semaphore_mem>>, %arg27: memref<!tpu.dma_semaphore, #tpu.memory_space<semaphore_mem>>, %arg28: memref<!tpu.dma_semaphore, #tpu.memory_space<semaphore_mem>>, %arg29: memref<!tpu.dma_semaphore, #tpu.memory_space<semaphore_mem>>, %arg30: memref<!tpu.dma_semaphore, #tpu.memory_space<semaphore_mem>>) attributes {dimension_semantics = [#tpu.dimension_semantics<core_parallel>, #tpu.dimension_semantics<subcore_parallel>], iteration_bounds = array<i64: 1, 16>, scalar_prefetch = 0 : i64, scratch_operands = 23 : i64, tpu.core_type = #tpu.core_type<sc_vector_subcore>, window_params = [{transform_indices = #map}, {transform_indices = #map}, {transform_indices = #map}, {transform_indices = #map}, {transform_indices = #map}, {transform_indices = #map1}]} {
    %iota3A = tpu.iota {dimensions = array<i32: 0>} : vector<16xi32>
    %mul3A = arith.constant 2 : i32
    %mul3A_0 = arith.muli %arg1, %mul3A : i32
    %add3A = arith.constant 1 : i32
    %add3A_1 = arith.addi %mul3A_0, %add3A : i32
    %mul3A_2 = arith.constant 128 : i32
    %mul3A_3 = arith.muli %mul3A_0, %mul3A_2 : i32
    %dma_start3A = tpu.memref_slice %arg3[%mul3A_3] : memref<4096xi32, #tpu.memory_space<hbm>> -> memref<128xi32, #tpu.memory_space<hbm>>
    %dma_start3A_4 = tpu.memref_slice %arg3[%mul3A_3] : memref<4096xi32, #tpu.memory_space<hbm>> -> memref<128xi32, #tpu.memory_space<hbm>>
    tpu.enqueue_dma source(%dma_start3A_4 : memref<128xi32, #tpu.memory_space<hbm>>) target(%arg8 : memref<128xi32, #tpu.memory_space<vmem>>) target_semaphore(%arg26 : memref<!tpu.dma_semaphore, #tpu.memory_space<semaphore_mem>>)
    %mul3A_5 = arith.constant 128 : i32
    %mul3A_6 = arith.muli %add3A_1, %mul3A_5 : i32
    %dma_start3A_7 = tpu.memref_slice %arg3[%mul3A_6] : memref<4096xi32, #tpu.memory_space<hbm>> -> memref<128xi32, #tpu.memory_space<hbm>>
    %dma_start3A_8 = tpu.memref_slice %arg3[%mul3A_6] : memref<4096xi32, #tpu.memory_space<hbm>> -> memref<128xi32, #tpu.memory_space<hbm>>
    tpu.enqueue_dma source(%dma_start3A_8 : memref<128xi32, #tpu.memory_space<hbm>>) target(%arg9 : memref<128xi32, #tpu.memory_space<vmem>>) target_semaphore(%arg27 : memref<!tpu.dma_semaphore, #tpu.memory_space<semaphore_mem>>)
    %mul3A_9 = arith.constant 128 : i32
    %mul3A_10 = arith.muli %mul3A_0, %mul3A_9 : i32
    %dma_start3A_11 = tpu.memref_slice %arg4[%mul3A_10] : memref<4096xi32, #tpu.memory_space<hbm>> -> memref<128xi32, #tpu.memory_space<hbm>>
    %dma_start3A_12 = tpu.memref_slice %arg4[%mul3A_10] : memref<4096xi32, #tpu.memory_space<hbm>> -> memref<128xi32, #tpu.memory_space<hbm>>
    tpu.enqueue_dma source(%dma_start3A_12 : memref<128xi32, #tpu.memory_space<hbm>>) target(%arg10 : memref<128xi32, #tpu.memory_space<vmem>>) target_semaphore(%arg28 : memref<!tpu.dma_semaphore, #tpu.memory_space<semaphore_mem>>)
    %mul3A_13 = arith.constant 128 : i32
    %mul3A_14 = arith.muli %add3A_1, %mul3A_13 : i32
    %dma_start3A_15 = tpu.memref_slice %arg4[%mul3A_14] : memref<4096xi32, #tpu.memory_space<hbm>> -> memref<128xi32, #tpu.memory_space<hbm>>
    %dma_start3A_16 = tpu.memref_slice %arg4[%mul3A_14] : memref<4096xi32, #tpu.memory_space<hbm>> -> memref<128xi32, #tpu.memory_space<hbm>>
    tpu.enqueue_dma source(%dma_start3A_16 : memref<128xi32, #tpu.memory_space<hbm>>) target(%arg11 : memref<128xi32, #tpu.memory_space<vmem>>) target_semaphore(%arg29 : memref<!tpu.dma_semaphore, #tpu.memory_space<semaphore_mem>>)
    %add3A_17 = arith.constant 0 : i32
    %add3A_18 = vector.broadcast %add3A_17 : i32 to vector<16xi32>
    %add3A_19 = arith.addi %iota3A, %add3A_18 : vector<16xi32>
    %mul3A_20 = arith.constant 2 : i32
    %mul3A_21 = vector.broadcast %mul3A_20 : i32 to vector<16xi32>
    %mul3A_22 = arith.muli %add3A_19, %mul3A_21 : vector<16xi32>
    %swap3A = arith.constant 0 : index
    %swap3A_23 = tpu.vector_load %arg12[%swap3A] {strides = array<i32>} : memref<128xi32, #tpu.memory_space<vmem>>, vector<16xi32>,
    %swap3A_24 = vector.shape_cast %swap3A_23 : vector<16xi32> to vector<16xi32>
    %swap3A_25 = vector.shape_cast %mul3A_22 : vector<16xi32> to vector<16xi32>
    tpu.vector_store %arg12[%swap3A], %swap3A_25 {strides = array<i32>} : memref<128xi32, #tpu.memory_space<vmem>>, vector<16xi32>,
    %add3A_26 = arith.constant 1 : i32
    %add3A_27 = vector.broadcast %add3A_26 : i32 to vector<16xi32>
    %add3A_28 = arith.addi %mul3A_22, %add3A_27 : vector<16xi32>
    %swap3A_29 = arith.constant 0 : index
    %swap3A_30 = tpu.vector_load %arg13[%swap3A_29] {strides = array<i32>} : memref<128xi32, #tpu.memory_space<vmem>>, vector<16xi32>,
    %swap3A_31 = vector.shape_cast %swap3A_30 : vector<16xi32> to vector<16xi32>
    %swap3A_32 = vector.shape_cast %add3A_28 : vector<16xi32> to vector<16xi32>
    tpu.vector_store %arg13[%swap3A_29], %swap3A_32 {strides = array<i32>} : memref<128xi32, #tpu.memory_space<vmem>>, vector<16xi32>,
    %add3A_33 = arith.constant 16 : i32
    %add3A_34 = vector.broadcast %add3A_33 : i32 to vector<16xi32>
    %add3A_35 = arith.addi %iota3A, %add3A_34 : vector<16xi32>
    %mul3A_36 = arith.constant 2 : i32
    %mul3A_37 = vector.broadcast %mul3A_36 : i32 to vector<16xi32>
    %mul3A_38 = arith.muli %add3A_35, %mul3A_37 : vector<16xi32>
    %swap3A_39 = arith.constant 16 : index
    %swap3A_40 = tpu.vector_load %arg12[%swap3A_39] {strides = array<i32>} : memref<128xi32, #tpu.memory_space<vmem>>, vector<16xi32>,
    %swap3A_41 = vector.shape_cast %swap3A_40 : vector<16xi32> to vector<16xi32>
    %swap3A_42 = vector.shape_cast %mul3A_38 : vector<16xi32> to vector<16xi32>
    tpu.vector_store %arg12[%swap3A_39], %swap3A_42 {strides = array<i32>} : memref<128xi32, #tpu.memory_space<vmem>>, vector<16xi32>,
    %add3A_43 = arith.constant 1 : i32
    %add3A_44 = vector.broadcast %add3A_43 : i32 to vector<16xi32>
    %add3A_45 = arith.addi %mul3A_38, %add3A_44 : vector<16xi32>
    %swap3A_46 = arith.constant 16 : index
    %swap3A_47 = tpu.vector_load %arg13[%swap3A_46] {strides = array<i32>} : memref<128xi32, #tpu.memory_space<vmem>>, vector<16xi32>,
    %swap3A_48 = vector.shape_cast %swap3A_47 : vector<16xi32> to vector<16xi32>
    %swap3A_49 = vector.shape_cast %add3A_45 : vector<16xi32> to vector<16xi32>
    tpu.vector_store %arg13[%swap3A_46], %swap3A_49 {strides = array<i32>} : memref<128xi32, #tpu.memory_space<vmem>>, vector<16xi32>,
    %add3A_50 = arith.constant 32 : i32
    %add3A_51 = vector.broadcast %add3A_50 : i32 to vector<16xi32>
    %add3A_52 = arith.addi %iota3A, %add3A_51 : vector<16xi32>
    %mul3A_53 = arith.constant 2 : i32
    %mul3A_54 = vector.broadcast %mul3A_53 : i32 to vector<16xi32>
    %mul3A_55 = arith.muli %add3A_52, %mul3A_54 : vector<16xi32>
    %swap3A_56 = arith.constant 32 : index
    %swap3A_57 = tpu.vector_load %arg12[%swap3A_56] {strides = array<i32>} : memref<128xi32, #tpu.memory_space<vmem>>, vector<16xi32>,
    %swap3A_58 = vector.shape_cast %swap3A_57 : vector<16xi32> to vector<16xi32>
    %swap3A_59 = vector.shape_cast %mul3A_55 : vector<16xi32> to vector<16xi32>
    tpu.vector_store %arg12[%swap3A_56], %swap3A_59 {strides = array<i32>} : memref<128xi32, #tpu.memory_space<vmem>>, vector<16xi32>,
    %add3A_60 = arith.constant 1 : i32
    %add3A_61 = vector.broadcast %add3A_60 : i32 to vector<16xi32>
    %add3A_62 = arith.addi %mul3A_55, %add3A_61 : vector<16xi32>
    %swap3A_63 = arith.constant 32 : index
    %swap3A_64 = tpu.vector_load %arg13[%swap3A_63] {strides = array<i32>} : memref<128xi32, #tpu.memory_space<vmem>>, vector<16xi32>,
    %swap3A_65 = vector.shape_cast %swap3A_64 : vector<16xi32> to vector<16xi32>
    %swap3A_66 = vector.shape_cast %add3A_62 : vector<16xi32> to vector<16xi32>
    tpu.vector_store %arg13[%swap3A_63], %swap3A_66 {strides = array<i32>} : memref<128xi32, #tpu.memory_space<vmem>>, vector<16xi32>,
    %add3A_67 = arith.constant 48 : i32
    %add3A_68 = vector.broadcast %add3A_67 : i32 to vector<16xi32>
    %add3A_69 = arith.addi %iota3A, %add3A_68 : vector<16xi32>
    %mul3A_70 = arith.constant 2 : i32
    %mul3A_71 = vector.broadcast %mul3A_70 : i32 to vector<16xi32>
    %mul3A_72 = arith.muli %add3A_69, %mul3A_71 : vector<16xi32>
    %swap3A_73 = arith.constant 48 : index
    %swap3A_74 = tpu.vector_load %arg12[%swap3A_73] {strides = array<i32>} : memref<128xi32, #tpu.memory_space<vmem>>, vector<16xi32>,
    %swap3A_75 = vector.shape_cast %swap3A_74 : vector<16xi32> to vector<16xi32>
    %swap3A_76 = vector.shape_cast %mul3A_72 : vector<16xi32> to vector<16xi32>
    tpu.vector_store %arg12[%swap3A_73], %swap3A_76 {strides = array<i32>} : memref<128xi32, #tpu.memory_space<vmem>>, vector<16xi32>,
    %add3A_77 = arith.constant 1 : i32
    %add3A_78 = vector.broadcast %add3A_77 : i32 to vector<16xi32>
    %add3A_79 = arith.addi %mul3A_72, %add3A_78 : vector<16xi32>
    %swap3A_80 = arith.constant 48 : index
    %swap3A_81 = tpu.vector_load %arg13[%swap3A_80] {strides = array<i32>} : memref<128xi32, #tpu.memory_space<vmem>>, vector<16xi32>,
    %swap3A_82 = vector.shape_cast %swap3A_81 : vector<16xi32> to vector<16xi32>
    %swap3A_83 = vector.shape_cast %add3A_79 : vector<16xi32> to vector<16xi32>
    tpu.vector_store %arg13[%swap3A_80], %swap3A_83 {strides = array<i32>} : memref<128xi32, #tpu.memory_space<vmem>>, vector<16xi32>,
    %add3A_84 = arith.constant 64 : i32
    %add3A_85 = vector.broadcast %add3A_84 : i32 to vector<16xi32>
    %add3A_86 = arith.addi %iota3A, %add3A_85 : vector<16xi32>
    %mul3A_87 = arith.constant 2 : i32
    %mul3A_88 = vector.broadcast %mul3A_87 : i32 to vector<16xi32>
    %mul3A_89 = arith.muli %add3A_86, %mul3A_88 : vector<16xi32>
    %swap3A_90 = arith.constant 64 : index
    %swap3A_91 = tpu.vector_load %arg12[%swap3A_90] {strides = array<i32>} : memref<128xi32, #tpu.memory_space<vmem>>, vector<16xi32>,
    %swap3A_92 = vector.shape_cast %swap3A_91 : vector<16xi32> to vector<16xi32>
    %swap3A_93 = vector.shape_cast %mul3A_89 : vector<16xi32> to vector<16xi32>
    tpu.vector_store %arg12[%swap3A_90], %swap3A_93 {strides = array<i32>} : memref<128xi32, #tpu.memory_space<vmem>>, vector<16xi32>,
    %add3A_94 = arith.constant 1 : i32
    %add3A_95 = vector.broadcast %add3A_94 : i32 to vector<16xi32>
    %add3A_96 = arith.addi %mul3A_89, %add3A_95 : vector<16xi32>
    %swap3A_97 = arith.constant 64 : index
    %swap3A_98 = tpu.vector_load %arg13[%swap3A_97] {strides = array<i32>} : memref<128xi32, #tpu.memory_space<vmem>>, vector<16xi32>,
    %swap3A_99 = vector.shape_cast %swap3A_98 : vector<16xi32> to vector<16xi32>
    %swap3A_100 = vector.shape_cast %add3A_96 : vector<16xi32> to vector<16xi32>
    tpu.vector_store %arg13[%swap3A_97], %swap3A_100 {strides = array<i32>} : memref<128xi32, #tpu.memory_space<vmem>>, vector<16xi32>,
    %add3A_101 = arith.constant 80 : i32
    %add3A_102 = vector.broadcast %add3A_101 : i32 to vector<16xi32>
    %add3A_103 = arith.addi %iota3A, %add3A_102 : vector<16xi32>
    %mul3A_104 = arith.constant 2 : i32
    %mul3A_105 = vector.broadcast %mul3A_104 : i32 to vector<16xi32>
    %mul3A_106 = arith.muli %add3A_103, %mul3A_105 : vector<16xi32>
    %swap3A_107 = arith.constant 80 : index
    %swap3A_108 = tpu.vector_load %arg12[%swap3A_107] {strides = array<i32>} : memref<128xi32, #tpu.memory_space<vmem>>, vector<16xi32>,
    %swap3A_109 = vector.shape_cast %swap3A_108 : vector<16xi32> to vector<16xi32>
    %swap3A_110 = vector.shape_cast %mul3A_106 : vector<16xi32> to vector<16xi32>
    tpu.vector_store %arg12[%swap3A_107], %swap3A_110 {strides = array<i32>} : memref<128xi32, #tpu.memory_space<vmem>>, vector<16xi32>,
    %add3A_111 = arith.constant 1 : i32
    %add3A_112 = vector.broadcast %add3A_111 : i32 to vector<16xi32>
    %add3A_113 = arith.addi %mul3A_106, %add3A_112 : vector<16xi32>
    %swap3A_114 = arith.constant 80 : index
    %swap3A_115 = tpu.vector_load %arg13[%swap3A_114] {strides = array<i32>} : memref<128xi32, #tpu.memory_space<vmem>>, vector<16xi32>,
    %swap3A_116 = vector.shape_cast %swap3A_115 : vector<16xi32> to vector<16xi32>
    %swap3A_117 = vector.shape_cast %add3A_113 : vector<16xi32> to vector<16xi32>
    tpu.vector_store %arg13[%swap3A_114], %swap3A_117 {strides = array<i32>} : memref<128xi32, #tpu.memory_space<vmem>>, vector<16xi32>,
    %add3A_118 = arith.constant 96 : i32
    %add3A_119 = vector.broadcast %add3A_118 : i32 to vector<16xi32>
    %add3A_120 = arith.addi %iota3A, %add3A_119 : vector<16xi32>
    %mul3A_121 = arith.constant 2 : i32
    %mul3A_122 = vector.broadcast %mul3A_121 : i32 to vector<16xi32>
    %mul3A_123 = arith.muli %add3A_120, %mul3A_122 : vector<16xi32>
    %swap3A_124 = arith.constant 96 : index
    %swap3A_125 = tpu.vector_load %arg12[%swap3A_124] {strides = array<i32>} : memref<128xi32, #tpu.memory_space<vmem>>, vector<16xi32>,
    %swap3A_126 = vector.shape_cast %swap3A_125 : vector<16xi32> to vector<16xi32>
    %swap3A_127 = vector.shape_cast %mul3A_123 : vector<16xi32> to vector<16xi32>
    tpu.vector_store %arg12[%swap3A_124], %swap3A_127 {strides = array<i32>} : memref<128xi32, #tpu.memory_space<vmem>>, vector<16xi32>,
    %add3A_128 = arith.constant 1 : i32
    %add3A_129 = vector.broadcast %add3A_128 : i32 to vector<16xi32>
    %add3A_130 = arith.addi %mul3A_123, %add3A_129 : vector<16xi32>
    %swap3A_131 = arith.constant 96 : index
    %swap3A_132 = tpu.vector_load %arg13[%swap3A_131] {strides = array<i32>} : memref<128xi32, #tpu.memory_space<vmem>>, vector<16xi32>,
    %swap3A_133 = vector.shape_cast %swap3A_132 : vector<16xi32> to vector<16xi32>
    %swap3A_134 = vector.shape_cast %add3A_130 : vector<16xi32> to vector<16xi32>
    tpu.vector_store %arg13[%swap3A_131], %swap3A_134 {strides = array<i32>} : memref<128xi32, #tpu.memory_space<vmem>>, vector<16xi32>,
    %add3A_135 = arith.constant 112 : i32
    %add3A_136 = vector.broadcast %add3A_135 : i32 to vector<16xi32>
    %add3A_137 = arith.addi %iota3A, %add3A_136 : vector<16xi32>
    %mul3A_138 = arith.constant 2 : i32
    %mul3A_139 = vector.broadcast %mul3A_138 : i32 to vector<16xi32>
    %mul3A_140 = arith.muli %add3A_137, %mul3A_139 : vector<16xi32>
    %swap3A_141 = arith.constant 112 : index
    %swap3A_142 = tpu.vector_load %arg12[%swap3A_141] {strides = array<i32>} : memref<128xi32, #tpu.memory_space<vmem>>, vector<16xi32>,
    %swap3A_143 = vector.shape_cast %swap3A_142 : vector<16xi32> to vector<16xi32>
    %swap3A_144 = vector.shape_cast %mul3A_140 : vector<16xi32> to vector<16xi32>
    tpu.vector_store %arg12[%swap3A_141], %swap3A_144 {strides = array<i32>} : memref<128xi32, #tpu.memory_space<vmem>>, vector<16xi32>,
    %add3A_145 = arith.constant 1 : i32
    %add3A_146 = vector.broadcast %add3A_145 : i32 to vector<16xi32>
    %add3A_147 = arith.addi %mul3A_140, %add3A_146 : vector<16xi32>
    %swap3A_148 = arith.constant 112 : index
    %swap3A_149 = tpu.vector_load %arg13[%swap3A_148] {strides = array<i32>} : memref<128xi32, #tpu.memory_space<vmem>>, vector<16xi32>,
    %swap3A_150 = vector.shape_cast %swap3A_149 : vector<16xi32> to vector<16xi32>
    %swap3A_151 = vector.shape_cast %add3A_147 : vector<16xi32> to vector<16xi32>
    tpu.vector_store %arg13[%swap3A_148], %swap3A_151 {strides = array<i32>} : memref<128xi32, #tpu.memory_space<vmem>>, vector<16xi32>,
    %mul3A_152 = arith.constant 128 : i32
    %mul3A_153 = arith.muli %mul3A_0, %mul3A_152 : i32
    %mul3A_154 = arith.constant 2 : i32
    %mul3A_155 = arith.muli %mul3A_153, %mul3A_154 : i32
    %dma_start3A_156 = tpu.memref_slice %arg5[%mul3A_155] : memref<8192xf32, #tpu.memory_space<hbm>> -> memref<256xf32, #tpu.memory_space<hbm>>
    %dma_start3A_157 = arith.constant 0 : i32
    %dma_start3A_158 = tpu.memref_slice %dma_start3A_156[%dma_start3A_157] : memref<256xf32, #tpu.memory_space<hbm>> -> memref<256xf32, #tpu.memory_space<hbm>>
    tpu.enqueue_indirect_dma source(%dma_start3A_158 : memref<256xf32, #tpu.memory_space<hbm>>) target(%arg18 : memref<128xf32, #tpu.memory_space<vmem>>) offsets(%arg12 : memref<128xi32, #tpu.memory_space<vmem>>) semaphore(%arg28 : memref<!tpu.dma_semaphore, #tpu.memory_space<semaphore_mem>>)
    %mul3A_159 = arith.constant 128 : i32
    %mul3A_160 = arith.muli %mul3A_0, %mul3A_159 : i32
    %mul3A_161 = arith.constant 2 : i32
    %mul3A_162 = arith.muli %mul3A_160, %mul3A_161 : i32
    %dma_start3A_163 = tpu.memref_slice %arg5[%mul3A_162] : memref<8192xf32, #tpu.memory_space<hbm>> -> memref<256xf32, #tpu.memory_space<hbm>>
    %dma_start3A_164 = arith.constant 0 : i32
    %dma_start3A_165 = tpu.memref_slice %dma_start3A_163[%dma_start3A_164] : memref<256xf32, #tpu.memory_space<hbm>> -> memref<256xf32, #tpu.memory_space<hbm>>
    tpu.enqueue_indirect_dma source(%dma_start3A_165 : memref<256xf32, #tpu.memory_space<hbm>>) target(%arg19 : memref<128xf32, #tpu.memory_space<vmem>>) offsets(%arg13 : memref<128xi32, #tpu.memory_space<vmem>>) semaphore(%arg28 : memref<!tpu.dma_semaphore, #tpu.memory_space<semaphore_mem>>)
    %mul3A_166 = arith.constant 128 : i32
    %mul3A_167 = arith.muli %add3A_1, %mul3A_166 : i32
    %mul3A_168 = arith.constant 2 : i32
    %mul3A_169 = arith.muli %mul3A_167, %mul3A_168 : i32
    %dma_start3A_170 = tpu.memref_slice %arg5[%mul3A_169] : memref<8192xf32, #tpu.memory_space<hbm>> -> memref<256xf32, #tpu.memory_space<hbm>>
    %dma_start3A_171 = arith.constant 0 : i32
    %dma_start3A_172 = tpu.memref_slice %dma_start3A_170[%dma_start3A_171] : memref<256xf32, #tpu.memory_space<hbm>> -> memref<256xf32, #tpu.memory_space<hbm>>
    tpu.enqueue_indirect_dma source(%dma_start3A_172 : memref<256xf32, #tpu.memory_space<hbm>>) target(%arg20 : memref<128xf32, #tpu.memory_space<vmem>>) offsets(%arg12 : memref<128xi32, #tpu.memory_space<vmem>>) semaphore(%arg29 : memref<!tpu.dma_semaphore, #tpu.memory_space<semaphore_mem>>)
    %mul3A_173 = arith.constant 128 : i32
    %mul3A_174 = arith.muli %add3A_1, %mul3A_173 : i32
    %mul3A_175 = arith.constant 2 : i32
    %mul3A_176 = arith.muli %mul3A_174, %mul3A_175 : i32
    %dma_start3A_177 = tpu.memref_slice %arg5[%mul3A_176] : memref<8192xf32, #tpu.memory_space<hbm>> -> memref<256xf32, #tpu.memory_space<hbm>>
    %dma_start3A_178 = arith.constant 0 : i32
    %dma_start3A_179 = tpu.memref_slice %dma_start3A_177[%dma_start3A_178] : memref<256xf32, #tpu.memory_space<hbm>> -> memref<256xf32, #tpu.memory_space<hbm>>
    tpu.enqueue_indirect_dma source(%dma_start3A_179 : memref<256xf32, #tpu.memory_space<hbm>>) target(%arg21 : memref<128xf32, #tpu.memory_space<vmem>>) offsets(%arg13 : memref<128xi32, #tpu.memory_space<vmem>>) semaphore(%arg29 : memref<!tpu.dma_semaphore, #tpu.memory_space<semaphore_mem>>)
    %dma_wait3A = tpu.memref_slice %arg3[%mul3A_3] : memref<4096xi32, #tpu.memory_space<hbm>> -> memref<128xi32, #tpu.memory_space<hbm>>
    %dma_wait3A_180 = tpu.memref_slice %arg3[%mul3A_3] : memref<4096xi32, #tpu.memory_space<hbm>> -> memref<128xi32, #tpu.memory_space<hbm>>
    tpu.wait_dma2 semaphore(%arg26 : memref<!tpu.dma_semaphore, #tpu.memory_space<semaphore_mem>>) src(%dma_wait3A_180 : memref<128xi32, #tpu.memory_space<hbm>>) dst(%arg8 : memref<128xi32, #tpu.memory_space<vmem>>)
    %mul3A_181 = arith.constant 2 : i32
    %mul3A_182 = arith.muli %mul3A_0, %mul3A_181 : i32
    %mul3A_183 = arith.constant 16384 : i32
    %mul3A_184 = arith.muli %mul3A_182, %mul3A_183 : i32
    %dma_start3A_185 = tpu.memref_slice %arg2[%mul3A_184] : memref<1048576xf32, #tpu.memory_space<hbm>> -> memref<16384xf32, #tpu.memory_space<hbm>>
    %dma_start3A_186 = arith.constant 0 : i32
    %dma_start3A_187 = tpu.memref_slice %dma_start3A_185[%dma_start3A_186] : memref<16384xf32, #tpu.memory_space<hbm>> -> memref<16384xf32, #tpu.memory_space<hbm>>
    tpu.enqueue_indirect_dma source(%dma_start3A_187 : memref<16384xf32, #tpu.memory_space<hbm>>) target(%arg14 : memref<128xf32, #tpu.memory_space<vmem>>) offsets(%arg8 : memref<128xi32, #tpu.memory_space<vmem>>) semaphore(%arg28 : memref<!tpu.dma_semaphore, #tpu.memory_space<semaphore_mem>>)
    %mul3A_188 = arith.constant 2 : i32
    %mul3A_189 = arith.muli %mul3A_0, %mul3A_188 : i32
    %mul3A_190 = arith.constant 16384 : i32
    %mul3A_191 = arith.muli %mul3A_189, %mul3A_190 : i32
    %add3A_192 = arith.constant 16384 : i32
    %add3A_193 = arith.addi %mul3A_191, %add3A_192 : i32
    %dma_start3A_194 = tpu.memref_slice %arg2[%add3A_193] : memref<1048576xf32, #tpu.memory_space<hbm>> -> memref<16384xf32, #tpu.memory_space<hbm>>
    %dma_start3A_195 = arith.constant 0 : i32
    %dma_start3A_196 = tpu.memref_slice %dma_start3A_194[%dma_start3A_195] : memref<16384xf32, #tpu.memory_space<hbm>> -> memref<16384xf32, #tpu.memory_space<hbm>>
    tpu.enqueue_indirect_dma source(%dma_start3A_196 : memref<16384xf32, #tpu.memory_space<hbm>>) target(%arg15 : memref<128xf32, #tpu.memory_space<vmem>>) offsets(%arg8 : memref<128xi32, #tpu.memory_space<vmem>>) semaphore(%arg28 : memref<!tpu.dma_semaphore, #tpu.memory_space<semaphore_mem>>)
    %dma_wait3A_197 = tpu.memref_slice %arg3[%mul3A_6] : memref<4096xi32, #tpu.memory_space<hbm>> -> memref<128xi32, #tpu.memory_space<hbm>>
    %dma_wait3A_198 = tpu.memref_slice %arg3[%mul3A_6] : memref<4096xi32, #tpu.memory_space<hbm>> -> memref<128xi32, #tpu.memory_space<hbm>>
    tpu.wait_dma2 semaphore(%arg27 : memref<!tpu.dma_semaphore, #tpu.memory_space<semaphore_mem>>) src(%dma_wait3A_198 : memref<128xi32, #tpu.memory_space<hbm>>) dst(%arg9 : memref<128xi32, #tpu.memory_space<vmem>>)
    %mul3A_199 = arith.constant 2 : i32
    %mul3A_200 = arith.muli %add3A_1, %mul3A_199 : i32
    %mul3A_201 = arith.constant 16384 : i32
    %mul3A_202 = arith.muli %mul3A_200, %mul3A_201 : i32
    %dma_start3A_203 = tpu.memref_slice %arg2[%mul3A_202] : memref<1048576xf32, #tpu.memory_space<hbm>> -> memref<16384xf32, #tpu.memory_space<hbm>>
    %dma_start3A_204 = arith.constant 0 : i32
    %dma_start3A_205 = tpu.memref_slice %dma_start3A_203[%dma_start3A_204] : memref<16384xf32, #tpu.memory_space<hbm>> -> memref<16384xf32, #tpu.memory_space<hbm>>
    tpu.enqueue_indirect_dma source(%dma_start3A_205 : memref<16384xf32, #tpu.memory_space<hbm>>) target(%arg16 : memref<128xf32, #tpu.memory_space<vmem>>) offsets(%arg9 : memref<128xi32, #tpu.memory_space<vmem>>) semaphore(%arg29 : memref<!tpu.dma_semaphore, #tpu.memory_space<semaphore_mem>>)
    %mul3A_206 = arith.constant 2 : i32
    %mul3A_207 = arith.muli %add3A_1, %mul3A_206 : i32
    %mul3A_208 = arith.constant 16384 : i32
    %mul3A_209 = arith.muli %mul3A_207, %mul3A_208 : i32
    %add3A_210 = arith.constant 16384 : i32
    %add3A_211 = arith.addi %mul3A_209, %add3A_210 : i32
    %dma_start3A_212 = tpu.memref_slice %arg2[%add3A_211] : memref<1048576xf32, #tpu.memory_space<hbm>> -> memref<16384xf32, #tpu.memory_space<hbm>>
    %dma_start3A_213 = arith.constant 0 : i32
    %dma_start3A_214 = tpu.memref_slice %dma_start3A_212[%dma_start3A_213] : memref<16384xf32, #tpu.memory_space<hbm>> -> memref<16384xf32, #tpu.memory_space<hbm>>
    tpu.enqueue_indirect_dma source(%dma_start3A_214 : memref<16384xf32, #tpu.memory_space<hbm>>) target(%arg17 : memref<128xf32, #tpu.memory_space<vmem>>) offsets(%arg9 : memref<128xi32, #tpu.memory_space<vmem>>) semaphore(%arg29 : memref<!tpu.dma_semaphore, #tpu.memory_space<semaphore_mem>>)
    %broadcast_in_dim3A = arith.constant 0.000000e+00 : f32
    %broadcast_in_dim3A_215 = vector.broadcast %broadcast_in_dim3A : f32 to vector<16xf32>
    %broadcast_in_dim3A_216 = arith.constant 0.000000e+00 : f32
    %broadcast_in_dim3A_217 = vector.broadcast %broadcast_in_dim3A_216 : f32 to vector<16xf32>
    %dma_wait3A_218 = tpu.memref_slice %arg4[%mul3A_10] : memref<4096xi32, #tpu.memory_space<hbm>> -> memref<128xi32, #tpu.memory_space<hbm>>
    %dma_wait3A_219 = tpu.memref_slice %arg4[%mul3A_10] : memref<4096xi32, #tpu.memory_space<hbm>> -> memref<128xi32, #tpu.memory_space<hbm>>
    tpu.wait_dma2 semaphore(%arg28 : memref<!tpu.dma_semaphore, #tpu.memory_space<semaphore_mem>>) src(%dma_wait3A_219 : memref<128xi32, #tpu.memory_space<hbm>>) dst(%arg10 : memref<128xi32, #tpu.memory_space<vmem>>)
    %dma_wait3A_220 = tpu.memref_slice %arg5[%mul3A_155] : memref<8192xf32, #tpu.memory_space<hbm>> -> memref<256xf32, #tpu.memory_space<hbm>>
    %dma_wait3A_221 = arith.constant 0 : i32
    %dma_wait3A_222 = tpu.memref_slice %dma_wait3A_220[%dma_wait3A_221] : memref<256xf32, #tpu.memory_space<hbm>> -> memref<256xf32, #tpu.memory_space<hbm>>
    tpu.wait_indirect_dma semaphore(%arg28 : memref<!tpu.dma_semaphore, #tpu.memory_space<semaphore_mem>>) src(%dma_wait3A_222 : memref<256xf32, #tpu.memory_space<hbm>>) dst(%arg18 : memref<128xf32, #tpu.memory_space<vmem>>)
    %dma_wait3A_223 = tpu.memref_slice %arg5[%mul3A_162] : memref<8192xf32, #tpu.memory_space<hbm>> -> memref<256xf32, #tpu.memory_space<hbm>>
    %dma_wait3A_224 = arith.constant 0 : i32
    %dma_wait3A_225 = tpu.memref_slice %dma_wait3A_223[%dma_wait3A_224] : memref<256xf32, #tpu.memory_space<hbm>> -> memref<256xf32, #tpu.memory_space<hbm>>
    tpu.wait_indirect_dma semaphore(%arg28 : memref<!tpu.dma_semaphore, #tpu.memory_space<semaphore_mem>>) src(%dma_wait3A_225 : memref<256xf32, #tpu.memory_space<hbm>>) dst(%arg19 : memref<128xf32, #tpu.memory_space<vmem>>)
    %dma_wait3A_226 = tpu.memref_slice %arg2[%mul3A_184] : memref<1048576xf32, #tpu.memory_space<hbm>> -> memref<16384xf32, #tpu.memory_space<hbm>>
    %dma_wait3A_227 = arith.constant 0 : i32
    %dma_wait3A_228 = tpu.memref_slice %dma_wait3A_226[%dma_wait3A_227] : memref<16384xf32, #tpu.memory_space<hbm>> -> memref<16384xf32, #tpu.memory_space<hbm>>
    tpu.wait_indirect_dma semaphore(%arg28 : memref<!tpu.dma_semaphore, #tpu.memory_space<semaphore_mem>>) src(%dma_wait3A_228 : memref<16384xf32, #tpu.memory_space<hbm>>) dst(%arg14 : memref<128xf32, #tpu.memory_space<vmem>>)
    %dma_wait3A_229 = tpu.memref_slice %arg2[%add3A_193] : memref<1048576xf32, #tpu.memory_space<hbm>> -> memref<16384xf32, #tpu.memory_space<hbm>>
    %dma_wait3A_230 = arith.constant 0 : i32
    %dma_wait3A_231 = tpu.memref_slice %dma_wait3A_229[%dma_wait3A_230] : memref<16384xf32, #tpu.memory_space<hbm>> -> memref<16384xf32, #tpu.memory_space<hbm>>
    tpu.wait_indirect_dma semaphore(%arg28 : memref<!tpu.dma_semaphore, #tpu.memory_space<semaphore_mem>>) src(%dma_wait3A_231 : memref<16384xf32, #tpu.memory_space<hbm>>) dst(%arg15 : memref<128xf32, #tpu.memory_space<vmem>>)
    %get3A = arith.constant 0 : index
    %get3A_232 = tpu.vector_load %arg10[%get3A] {strides = array<i32>} : memref<128xi32, #tpu.memory_space<vmem>>, vector<16xi32>,
    %get3A_233 = vector.shape_cast %get3A_232 : vector<16xi32> to vector<16xi32>
    %convert_element_type3A = arith.sitofp %get3A_233 : vector<16xi32> to vector<16xf32>
    %get3A_234 = arith.constant 0 : index
    %get3A_235 = tpu.vector_load %arg14[%get3A_234] {strides = array<i32>} : memref<128xf32, #tpu.memory_space<vmem>>, vector<16xf32>,
    %get3A_236 = vector.shape_cast %get3A_235 : vector<16xf32> to vector<16xf32>
    %get3A_237 = arith.constant 0 : index
    %get3A_238 = tpu.vector_load %arg18[%get3A_237] {strides = array<i32>} : memref<128xf32, #tpu.memory_space<vmem>>, vector<16xf32>,
    %get3A_239 = vector.shape_cast %get3A_238 : vector<16xf32> to vector<16xf32>
    %sub3A = arith.subf %get3A_236, %get3A_239 : vector<16xf32>
    %abs3A = math.absf %sub3A : vector<16xf32>
    %get3A_240 = arith.constant 0 : index
    %get3A_241 = tpu.vector_load %arg15[%get3A_240] {strides = array<i32>} : memref<128xf32, #tpu.memory_space<vmem>>, vector<16xf32>,
    %get3A_242 = vector.shape_cast %get3A_241 : vector<16xf32> to vector<16xf32>
    %get3A_243 = arith.constant 0 : index
    %get3A_244 = tpu.vector_load %arg19[%get3A_243] {strides = array<i32>} : memref<128xf32, #tpu.memory_space<vmem>>, vector<16xf32>,
    %get3A_245 = vector.shape_cast %get3A_244 : vector<16xf32> to vector<16xf32>
    %sub3A_246 = arith.subf %get3A_242, %get3A_245 : vector<16xf32>
    %abs3A_247 = math.absf %sub3A_246 : vector<16xf32>
    %add3A_248 = arith.addf %abs3A, %abs3A_247 : vector<16xf32>
    %mul3A_249 = arith.mulf %convert_element_type3A, %add3A_248 : vector<16xf32>
    %add3A_250 = arith.addf %broadcast_in_dim3A_215, %mul3A_249 : vector<16xf32>
    %add3A_251 = arith.addf %broadcast_in_dim3A_217, %convert_element_type3A : vector<16xf32>
    %get3A_252 = arith.constant 16 : index
    %get3A_253 = tpu.vector_load %arg10[%get3A_252] {strides = array<i32>} : memref<128xi32, #tpu.memory_space<vmem>>, vector<16xi32>,
    %get3A_254 = vector.shape_cast %get3A_253 : vector<16xi32> to vector<16xi32>
    %convert_element_type3A_255 = arith.sitofp %get3A_254 : vector<16xi32> to vector<16xf32>
    %get3A_256 = arith.constant 16 : index
    %get3A_257 = tpu.vector_load %arg14[%get3A_256] {strides = array<i32>} : memref<128xf32, #tpu.memory_space<vmem>>, vector<16xf32>,
    %get3A_258 = vector.shape_cast %get3A_257 : vector<16xf32> to vector<16xf32>
    %get3A_259 = arith.constant 16 : index
    %get3A_260 = tpu.vector_load %arg18[%get3A_259] {strides = array<i32>} : memref<128xf32, #tpu.memory_space<vmem>>, vector<16xf32>,
    %get3A_261 = vector.shape_cast %get3A_260 : vector<16xf32> to vector<16xf32>
    %sub3A_262 = arith.subf %get3A_258, %get3A_261 : vector<16xf32>
    %abs3A_263 = math.absf %sub3A_262 : vector<16xf32>
    %get3A_264 = arith.constant 16 : index
    %get3A_265 = tpu.vector_load %arg15[%get3A_264] {strides = array<i32>} : memref<128xf32, #tpu.memory_space<vmem>>, vector<16xf32>,
    %get3A_266 = vector.shape_cast %get3A_265 : vector<16xf32> to vector<16xf32>
    %get3A_267 = arith.constant 16 : index
    %get3A_268 = tpu.vector_load %arg19[%get3A_267] {strides = array<i32>} : memref<128xf32, #tpu.memory_space<vmem>>, vector<16xf32>,
    %get3A_269 = vector.shape_cast %get3A_268 : vector<16xf32> to vector<16xf32>
    %sub3A_270 = arith.subf %get3A_266, %get3A_269 : vector<16xf32>
    %abs3A_271 = math.absf %sub3A_270 : vector<16xf32>
    %add3A_272 = arith.addf %abs3A_263, %abs3A_271 : vector<16xf32>
    %mul3A_273 = arith.mulf %convert_element_type3A_255, %add3A_272 : vector<16xf32>
    %add3A_274 = arith.addf %add3A_250, %mul3A_273 : vector<16xf32>
    %add3A_275 = arith.addf %add3A_251, %convert_element_type3A_255 : vector<16xf32>
    %get3A_276 = arith.constant 32 : index
    %get3A_277 = tpu.vector_load %arg10[%get3A_276] {strides = array<i32>} : memref<128xi32, #tpu.memory_space<vmem>>, vector<16xi32>,
    %get3A_278 = vector.shape_cast %get3A_277 : vector<16xi32> to vector<16xi32>
    %convert_element_type3A_279 = arith.sitofp %get3A_278 : vector<16xi32> to vector<16xf32>
    %get3A_280 = arith.constant 32 : index
    %get3A_281 = tpu.vector_load %arg14[%get3A_280] {strides = array<i32>} : memref<128xf32, #tpu.memory_space<vmem>>, vector<16xf32>,
    %get3A_282 = vector.shape_cast %get3A_281 : vector<16xf32> to vector<16xf32>
    %get3A_283 = arith.constant 32 : index
    %get3A_284 = tpu.vector_load %arg18[%get3A_283] {strides = array<i32>} : memref<128xf32, #tpu.memory_space<vmem>>, vector<16xf32>,
    %get3A_285 = vector.shape_cast %get3A_284 : vector<16xf32> to vector<16xf32>
    %sub3A_286 = arith.subf %get3A_282, %get3A_285 : vector<16xf32>
    %abs3A_287 = math.absf %sub3A_286 : vector<16xf32>
    %get3A_288 = arith.constant 32 : index
    %get3A_289 = tpu.vector_load %arg15[%get3A_288] {strides = array<i32>} : memref<128xf32, #tpu.memory_space<vmem>>, vector<16xf32>,
    %get3A_290 = vector.shape_cast %get3A_289 : vector<16xf32> to vector<16xf32>
    %get3A_291 = arith.constant 32 : index
    %get3A_292 = tpu.vector_load %arg19[%get3A_291] {strides = array<i32>} : memref<128xf32, #tpu.memory_space<vmem>>, vector<16xf32>,
    %get3A_293 = vector.shape_cast %get3A_292 : vector<16xf32> to vector<16xf32>
    %sub3A_294 = arith.subf %get3A_290, %get3A_293 : vector<16xf32>
    %abs3A_295 = math.absf %sub3A_294 : vector<16xf32>
    %add3A_296 = arith.addf %abs3A_287, %abs3A_295 : vector<16xf32>
    %mul3A_297 = arith.mulf %convert_element_type3A_279, %add3A_296 : vector<16xf32>
    %add3A_298 = arith.addf %add3A_274, %mul3A_297 : vector<16xf32>
    %add3A_299 = arith.addf %add3A_275, %convert_element_type3A_279 : vector<16xf32>
    %get3A_300 = arith.constant 48 : index
    %get3A_301 = tpu.vector_load %arg10[%get3A_300] {strides = array<i32>} : memref<128xi32, #tpu.memory_space<vmem>>, vector<16xi32>,
    %get3A_302 = vector.shape_cast %get3A_301 : vector<16xi32> to vector<16xi32>
    %convert_element_type3A_303 = arith.sitofp %get3A_302 : vector<16xi32> to vector<16xf32>
    %get3A_304 = arith.constant 48 : index
    %get3A_305 = tpu.vector_load %arg14[%get3A_304] {strides = array<i32>} : memref<128xf32, #tpu.memory_space<vmem>>, vector<16xf32>,
    %get3A_306 = vector.shape_cast %get3A_305 : vector<16xf32> to vector<16xf32>
    %get3A_307 = arith.constant 48 : index
    %get3A_308 = tpu.vector_load %arg18[%get3A_307] {strides = array<i32>} : memref<128xf32, #tpu.memory_space<vmem>>, vector<16xf32>,
    %get3A_309 = vector.shape_cast %get3A_308 : vector<16xf32> to vector<16xf32>
    %sub3A_310 = arith.subf %get3A_306, %get3A_309 : vector<16xf32>
    %abs3A_311 = math.absf %sub3A_310 : vector<16xf32>
    %get3A_312 = arith.constant 48 : index
    %get3A_313 = tpu.vector_load %arg15[%get3A_312] {strides = array<i32>} : memref<128xf32, #tpu.memory_space<vmem>>, vector<16xf32>,
    %get3A_314 = vector.shape_cast %get3A_313 : vector<16xf32> to vector<16xf32>
    %get3A_315 = arith.constant 48 : index
    %get3A_316 = tpu.vector_load %arg19[%get3A_315] {strides = array<i32>} : memref<128xf32, #tpu.memory_space<vmem>>, vector<16xf32>,
    %get3A_317 = vector.shape_cast %get3A_316 : vector<16xf32> to vector<16xf32>
    %sub3A_318 = arith.subf %get3A_314, %get3A_317 : vector<16xf32>
    %abs3A_319 = math.absf %sub3A_318 : vector<16xf32>
    %add3A_320 = arith.addf %abs3A_311, %abs3A_319 : vector<16xf32>
    %mul3A_321 = arith.mulf %convert_element_type3A_303, %add3A_320 : vector<16xf32>
    %add3A_322 = arith.addf %add3A_298, %mul3A_321 : vector<16xf32>
    %add3A_323 = arith.addf %add3A_299, %convert_element_type3A_303 : vector<16xf32>
    %get3A_324 = arith.constant 64 : index
    %get3A_325 = tpu.vector_load %arg10[%get3A_324] {strides = array<i32>} : memref<128xi32, #tpu.memory_space<vmem>>, vector<16xi32>,
    %get3A_326 = vector.shape_cast %get3A_325 : vector<16xi32> to vector<16xi32>
    %convert_element_type3A_327 = arith.sitofp %get3A_326 : vector<16xi32> to vector<16xf32>
    %get3A_328 = arith.constant 64 : index
    %get3A_329 = tpu.vector_load %arg14[%get3A_328] {strides = array<i32>} : memref<128xf32, #tpu.memory_space<vmem>>, vector<16xf32>,
    %get3A_330 = vector.shape_cast %get3A_329 : vector<16xf32> to vector<16xf32>
    %get3A_331 = arith.constant 64 : index
    %get3A_332 = tpu.vector_load %arg18[%get3A_331] {strides = array<i32>} : memref<128xf32, #tpu.memory_space<vmem>>, vector<16xf32>,
    %get3A_333 = vector.shape_cast %get3A_332 : vector<16xf32> to vector<16xf32>
    %sub3A_334 = arith.subf %get3A_330, %get3A_333 : vector<16xf32>
    %abs3A_335 = math.absf %sub3A_334 : vector<16xf32>
    %get3A_336 = arith.constant 64 : index
    %get3A_337 = tpu.vector_load %arg15[%get3A_336] {strides = array<i32>} : memref<128xf32, #tpu.memory_space<vmem>>, vector<16xf32>,
    %get3A_338 = vector.shape_cast %get3A_337 : vector<16xf32> to vector<16xf32>
    %get3A_339 = arith.constant 64 : index
    %get3A_340 = tpu.vector_load %arg19[%get3A_339] {strides = array<i32>} : memref<128xf32, #tpu.memory_space<vmem>>, vector<16xf32>,
    %get3A_341 = vector.shape_cast %get3A_340 : vector<16xf32> to vector<16xf32>
    %sub3A_342 = arith.subf %get3A_338, %get3A_341 : vector<16xf32>
    %abs3A_343 = math.absf %sub3A_342 : vector<16xf32>
    %add3A_344 = arith.addf %abs3A_335, %abs3A_343 : vector<16xf32>
    %mul3A_345 = arith.mulf %convert_element_type3A_327, %add3A_344 : vector<16xf32>
    %add3A_346 = arith.addf %add3A_322, %mul3A_345 : vector<16xf32>
    %add3A_347 = arith.addf %add3A_323, %convert_element_type3A_327 : vector<16xf32>
    %get3A_348 = arith.constant 80 : index
    %get3A_349 = tpu.vector_load %arg10[%get3A_348] {strides = array<i32>} : memref<128xi32, #tpu.memory_space<vmem>>, vector<16xi32>,
    %get3A_350 = vector.shape_cast %get3A_349 : vector<16xi32> to vector<16xi32>
    %convert_element_type3A_351 = arith.sitofp %get3A_350 : vector<16xi32> to vector<16xf32>
    %get3A_352 = arith.constant 80 : index
    %get3A_353 = tpu.vector_load %arg14[%get3A_352] {strides = array<i32>} : memref<128xf32, #tpu.memory_space<vmem>>, vector<16xf32>,
    %get3A_354 = vector.shape_cast %get3A_353 : vector<16xf32> to vector<16xf32>
    %get3A_355 = arith.constant 80 : index
    %get3A_356 = tpu.vector_load %arg18[%get3A_355] {strides = array<i32>} : memref<128xf32, #tpu.memory_space<vmem>>, vector<16xf32>,
    %get3A_357 = vector.shape_cast %get3A_356 : vector<16xf32> to vector<16xf32>
    %sub3A_358 = arith.subf %get3A_354, %get3A_357 : vector<16xf32>
    %abs3A_359 = math.absf %sub3A_358 : vector<16xf32>
    %get3A_360 = arith.constant 80 : index
    %get3A_361 = tpu.vector_load %arg15[%get3A_360] {strides = array<i32>} : memref<128xf32, #tpu.memory_space<vmem>>, vector<16xf32>,
    %get3A_362 = vector.shape_cast %get3A_361 : vector<16xf32> to vector<16xf32>
    %get3A_363 = arith.constant 80 : index
    %get3A_364 = tpu.vector_load %arg19[%get3A_363] {strides = array<i32>} : memref<128xf32, #tpu.memory_space<vmem>>, vector<16xf32>,
    %get3A_365 = vector.shape_cast %get3A_364 : vector<16xf32> to vector<16xf32>
    %sub3A_366 = arith.subf %get3A_362, %get3A_365 : vector<16xf32>
    %abs3A_367 = math.absf %sub3A_366 : vector<16xf32>
    %add3A_368 = arith.addf %abs3A_359, %abs3A_367 : vector<16xf32>
    %mul3A_369 = arith.mulf %convert_element_type3A_351, %add3A_368 : vector<16xf32>
    %add3A_370 = arith.addf %add3A_346, %mul3A_369 : vector<16xf32>
    %add3A_371 = arith.addf %add3A_347, %convert_element_type3A_351 : vector<16xf32>
    %get3A_372 = arith.constant 96 : index
    %get3A_373 = tpu.vector_load %arg10[%get3A_372] {strides = array<i32>} : memref<128xi32, #tpu.memory_space<vmem>>, vector<16xi32>,
    %get3A_374 = vector.shape_cast %get3A_373 : vector<16xi32> to vector<16xi32>
    %convert_element_type3A_375 = arith.sitofp %get3A_374 : vector<16xi32> to vector<16xf32>
    %get3A_376 = arith.constant 96 : index
    %get3A_377 = tpu.vector_load %arg14[%get3A_376] {strides = array<i32>} : memref<128xf32, #tpu.memory_space<vmem>>, vector<16xf32>,
    %get3A_378 = vector.shape_cast %get3A_377 : vector<16xf32> to vector<16xf32>
    %get3A_379 = arith.constant 96 : index
    %get3A_380 = tpu.vector_load %arg18[%get3A_379] {strides = array<i32>} : memref<128xf32, #tpu.memory_space<vmem>>, vector<16xf32>,
    %get3A_381 = vector.shape_cast %get3A_380 : vector<16xf32> to vector<16xf32>
    %sub3A_382 = arith.subf %get3A_378, %get3A_381 : vector<16xf32>
    %abs3A_383 = math.absf %sub3A_382 : vector<16xf32>
    %get3A_384 = arith.constant 96 : index
    %get3A_385 = tpu.vector_load %arg15[%get3A_384] {strides = array<i32>} : memref<128xf32, #tpu.memory_space<vmem>>, vector<16xf32>,
    %get3A_386 = vector.shape_cast %get3A_385 : vector<16xf32> to vector<16xf32>
    %get3A_387 = arith.constant 96 : index
    %get3A_388 = tpu.vector_load %arg19[%get3A_387] {strides = array<i32>} : memref<128xf32, #tpu.memory_space<vmem>>, vector<16xf32>,
    %get3A_389 = vector.shape_cast %get3A_388 : vector<16xf32> to vector<16xf32>
    %sub3A_390 = arith.subf %get3A_386, %get3A_389 : vector<16xf32>
    %abs3A_391 = math.absf %sub3A_390 : vector<16xf32>
    %add3A_392 = arith.addf %abs3A_383, %abs3A_391 : vector<16xf32>
    %mul3A_393 = arith.mulf %convert_element_type3A_375, %add3A_392 : vector<16xf32>
    %add3A_394 = arith.addf %add3A_370, %mul3A_393 : vector<16xf32>
    %add3A_395 = arith.addf %add3A_371, %convert_element_type3A_375 : vector<16xf32>
    %get3A_396 = arith.constant 112 : index
    %get3A_397 = tpu.vector_load %arg10[%get3A_396] {strides = array<i32>} : memref<128xi32, #tpu.memory_space<vmem>>, vector<16xi32>,
    %get3A_398 = vector.shape_cast %get3A_397 : vector<16xi32> to vector<16xi32>
    %convert_element_type3A_399 = arith.sitofp %get3A_398 : vector<16xi32> to vector<16xf32>
    %get3A_400 = arith.constant 112 : index
    %get3A_401 = tpu.vector_load %arg14[%get3A_400] {strides = array<i32>} : memref<128xf32, #tpu.memory_space<vmem>>, vector<16xf32>,
    %get3A_402 = vector.shape_cast %get3A_401 : vector<16xf32> to vector<16xf32>
    %get3A_403 = arith.constant 112 : index
    %get3A_404 = tpu.vector_load %arg18[%get3A_403] {strides = array<i32>} : memref<128xf32, #tpu.memory_space<vmem>>, vector<16xf32>,
    %get3A_405 = vector.shape_cast %get3A_404 : vector<16xf32> to vector<16xf32>
    %sub3A_406 = arith.subf %get3A_402, %get3A_405 : vector<16xf32>
    %abs3A_407 = math.absf %sub3A_406 : vector<16xf32>
    %get3A_408 = arith.constant 112 : index
    %get3A_409 = tpu.vector_load %arg15[%get3A_408] {strides = array<i32>} : memref<128xf32, #tpu.memory_space<vmem>>, vector<16xf32>,
    %get3A_410 = vector.shape_cast %get3A_409 : vector<16xf32> to vector<16xf32>
    %get3A_411 = arith.constant 112 : index
    %get3A_412 = tpu.vector_load %arg19[%get3A_411] {strides = array<i32>} : memref<128xf32, #tpu.memory_space<vmem>>, vector<16xf32>,
    %get3A_413 = vector.shape_cast %get3A_412 : vector<16xf32> to vector<16xf32>
    %sub3A_414 = arith.subf %get3A_410, %get3A_413 : vector<16xf32>
    %abs3A_415 = math.absf %sub3A_414 : vector<16xf32>
    %add3A_416 = arith.addf %abs3A_407, %abs3A_415 : vector<16xf32>
    %mul3A_417 = arith.mulf %convert_element_type3A_399, %add3A_416 : vector<16xf32>
    %add3A_418 = arith.addf %add3A_394, %mul3A_417 : vector<16xf32>
    %add3A_419 = arith.addf %add3A_395, %convert_element_type3A_399 : vector<16xf32>
    %swap3A_420 = arith.constant 0 : i32
    %swap3A_421 = arith.index_cast %swap3A_420 : i32 to index
    %swap3A_422 = arith.constant 0 : index
    %swap3A_423 = tpu.vector_load %arg23[%swap3A_421, %swap3A_422] {strides = array<i32>} : memref<1x32xf32, #tpu.memory_space<vmem>>, vector<1x16xf32>,
    %swap3A_424 = vector.shape_cast %swap3A_423 : vector<1x16xf32> to vector<16xf32>
    %swap3A_425 = vector.shape_cast %add3A_418 : vector<16xf32> to vector<1x16xf32>
    tpu.vector_store %arg23[%swap3A_421, %swap3A_422], %swap3A_425 {strides = array<i32>} : memref<1x32xf32, #tpu.memory_space<vmem>>, vector<1x16xf32>,
    %swap3A_426 = arith.constant 0 : i32
    %swap3A_427 = arith.index_cast %swap3A_426 : i32 to index
    %swap3A_428 = arith.constant 16 : index
    %swap3A_429 = tpu.vector_load %arg23[%swap3A_427, %swap3A_428] {strides = array<i32>} : memref<1x32xf32, #tpu.memory_space<vmem>>, vector<1x16xf32>,
    %swap3A_430 = vector.shape_cast %swap3A_429 : vector<1x16xf32> to vector<16xf32>
    %swap3A_431 = vector.shape_cast %add3A_419 : vector<16xf32> to vector<1x16xf32>
    tpu.vector_store %arg23[%swap3A_427, %swap3A_428], %swap3A_431 {strides = array<i32>} : memref<1x32xf32, #tpu.memory_space<vmem>>, vector<1x16xf32>,
    %dma_start3A_432 = arith.constant 0 : i32
    %dma_start3A_433 = tpu.memref_slice %arg7[%arg1, %dma_start3A_432] : memref<32x32xf32, #tpu.memory_space<hbm>> -> memref<1x32xf32, #tpu.memory_space<hbm>>
    %dma_start3A_434 = arith.constant 0 : i32
    %dma_start3A_435 = tpu.memref_slice %arg7[%arg1, %dma_start3A_434] : memref<32x32xf32, #tpu.memory_space<hbm>> -> memref<1x32xf32, #tpu.memory_space<hbm>>
    tpu.enqueue_dma source(%arg23 : memref<1x32xf32, #tpu.memory_space<vmem>>) target(%dma_start3A_435 : memref<1x32xf32, #tpu.memory_space<hbm>>) target_semaphore(%arg30 : memref<!tpu.dma_semaphore, #tpu.memory_space<semaphore_mem>>)
    %broadcast_in_dim3A_436 = arith.constant 0.000000e+00 : f32
    %broadcast_in_dim3A_437 = vector.broadcast %broadcast_in_dim3A_436 : f32 to vector<16xf32>
    %broadcast_in_dim3A_438 = arith.constant 0.000000e+00 : f32
    %broadcast_in_dim3A_439 = vector.broadcast %broadcast_in_dim3A_438 : f32 to vector<16xf32>
    %dma_wait3A_440 = tpu.memref_slice %arg4[%mul3A_14] : memref<4096xi32, #tpu.memory_space<hbm>> -> memref<128xi32, #tpu.memory_space<hbm>>
    %dma_wait3A_441 = tpu.memref_slice %arg4[%mul3A_14] : memref<4096xi32, #tpu.memory_space<hbm>> -> memref<128xi32, #tpu.memory_space<hbm>>
    tpu.wait_dma2 semaphore(%arg29 : memref<!tpu.dma_semaphore, #tpu.memory_space<semaphore_mem>>) src(%dma_wait3A_441 : memref<128xi32, #tpu.memory_space<hbm>>) dst(%arg11 : memref<128xi32, #tpu.memory_space<vmem>>)
    %dma_wait3A_442 = tpu.memref_slice %arg5[%mul3A_169] : memref<8192xf32, #tpu.memory_space<hbm>> -> memref<256xf32, #tpu.memory_space<hbm>>
    %dma_wait3A_443 = arith.constant 0 : i32
    %dma_wait3A_444 = tpu.memref_slice %dma_wait3A_442[%dma_wait3A_443] : memref<256xf32, #tpu.memory_space<hbm>> -> memref<256xf32, #tpu.memory_space<hbm>>
    tpu.wait_indirect_dma semaphore(%arg29 : memref<!tpu.dma_semaphore, #tpu.memory_space<semaphore_mem>>) src(%dma_wait3A_444 : memref<256xf32, #tpu.memory_space<hbm>>) dst(%arg20 : memref<128xf32, #tpu.memory_space<vmem>>)
    %dma_wait3A_445 = tpu.memref_slice %arg5[%mul3A_176] : memref<8192xf32, #tpu.memory_space<hbm>> -> memref<256xf32, #tpu.memory_space<hbm>>
    %dma_wait3A_446 = arith.constant 0 : i32
    %dma_wait3A_447 = tpu.memref_slice %dma_wait3A_445[%dma_wait3A_446] : memref<256xf32, #tpu.memory_space<hbm>> -> memref<256xf32, #tpu.memory_space<hbm>>
    tpu.wait_indirect_dma semaphore(%arg29 : memref<!tpu.dma_semaphore, #tpu.memory_space<semaphore_mem>>) src(%dma_wait3A_447 : memref<256xf32, #tpu.memory_space<hbm>>) dst(%arg21 : memref<128xf32, #tpu.memory_space<vmem>>)
    %dma_wait3A_448 = tpu.memref_slice %arg2[%mul3A_202] : memref<1048576xf32, #tpu.memory_space<hbm>> -> memref<16384xf32, #tpu.memory_space<hbm>>
    %dma_wait3A_449 = arith.constant 0 : i32
    %dma_wait3A_450 = tpu.memref_slice %dma_wait3A_448[%dma_wait3A_449] : memref<16384xf32, #tpu.memory_space<hbm>> -> memref<16384xf32, #tpu.memory_space<hbm>>
    tpu.wait_indirect_dma semaphore(%arg29 : memref<!tpu.dma_semaphore, #tpu.memory_space<semaphore_mem>>) src(%dma_wait3A_450 : memref<16384xf32, #tpu.memory_space<hbm>>) dst(%arg16 : memref<128xf32, #tpu.memory_space<vmem>>)
    %dma_wait3A_451 = tpu.memref_slice %arg2[%add3A_211] : memref<1048576xf32, #tpu.memory_space<hbm>> -> memref<16384xf32, #tpu.memory_space<hbm>>
    %dma_wait3A_452 = arith.constant 0 : i32
    %dma_wait3A_453 = tpu.memref_slice %dma_wait3A_451[%dma_wait3A_452] : memref<16384xf32, #tpu.memory_space<hbm>> -> memref<16384xf32, #tpu.memory_space<hbm>>
    tpu.wait_indirect_dma semaphore(%arg29 : memref<!tpu.dma_semaphore, #tpu.memory_space<semaphore_mem>>) src(%dma_wait3A_453 : memref<16384xf32, #tpu.memory_space<hbm>>) dst(%arg17 : memref<128xf32, #tpu.memory_space<vmem>>)
    %get3A_454 = arith.constant 0 : index
    %get3A_455 = tpu.vector_load %arg11[%get3A_454] {strides = array<i32>} : memref<128xi32, #tpu.memory_space<vmem>>, vector<16xi32>,
    %get3A_456 = vector.shape_cast %get3A_455 : vector<16xi32> to vector<16xi32>
    %convert_element_type3A_457 = arith.sitofp %get3A_456 : vector<16xi32> to vector<16xf32>
    %get3A_458 = arith.constant 0 : index
    %get3A_459 = tpu.vector_load %arg16[%get3A_458] {strides = array<i32>} : memref<128xf32, #tpu.memory_space<vmem>>, vector<16xf32>,
    %get3A_460 = vector.shape_cast %get3A_459 : vector<16xf32> to vector<16xf32>
    %get3A_461 = arith.constant 0 : index
    %get3A_462 = tpu.vector_load %arg20[%get3A_461] {strides = array<i32>} : memref<128xf32, #tpu.memory_space<vmem>>, vector<16xf32>,
    %get3A_463 = vector.shape_cast %get3A_462 : vector<16xf32> to vector<16xf32>
    %sub3A_464 = arith.subf %get3A_460, %get3A_463 : vector<16xf32>
    %abs3A_465 = math.absf %sub3A_464 : vector<16xf32>
    %get3A_466 = arith.constant 0 : index
    %get3A_467 = tpu.vector_load %arg17[%get3A_466] {strides = array<i32>} : memref<128xf32, #tpu.memory_space<vmem>>, vector<16xf32>,
    %get3A_468 = vector.shape_cast %get3A_467 : vector<16xf32> to vector<16xf32>
    %get3A_469 = arith.constant 0 : index
    %get3A_470 = tpu.vector_load %arg21[%get3A_469] {strides = array<i32>} : memref<128xf32, #tpu.memory_space<vmem>>, vector<16xf32>,
    %get3A_471 = vector.shape_cast %get3A_470 : vector<16xf32> to vector<16xf32>
    %sub3A_472 = arith.subf %get3A_468, %get3A_471 : vector<16xf32>
    %abs3A_473 = math.absf %sub3A_472 : vector<16xf32>
    %add3A_474 = arith.addf %abs3A_465, %abs3A_473 : vector<16xf32>
    %mul3A_475 = arith.mulf %convert_element_type3A_457, %add3A_474 : vector<16xf32>
    %add3A_476 = arith.addf %broadcast_in_dim3A_437, %mul3A_475 : vector<16xf32>
    %add3A_477 = arith.addf %broadcast_in_dim3A_439, %convert_element_type3A_457 : vector<16xf32>
    %get3A_478 = arith.constant 16 : index
    %get3A_479 = tpu.vector_load %arg11[%get3A_478] {strides = array<i32>} : memref<128xi32, #tpu.memory_space<vmem>>, vector<16xi32>,
    %get3A_480 = vector.shape_cast %get3A_479 : vector<16xi32> to vector<16xi32>
    %convert_element_type3A_481 = arith.sitofp %get3A_480 : vector<16xi32> to vector<16xf32>
    %get3A_482 = arith.constant 16 : index
    %get3A_483 = tpu.vector_load %arg16[%get3A_482] {strides = array<i32>} : memref<128xf32, #tpu.memory_space<vmem>>, vector<16xf32>,
    %get3A_484 = vector.shape_cast %get3A_483 : vector<16xf32> to vector<16xf32>
    %get3A_485 = arith.constant 16 : index
    %get3A_486 = tpu.vector_load %arg20[%get3A_485] {strides = array<i32>} : memref<128xf32, #tpu.memory_space<vmem>>, vector<16xf32>,
    %get3A_487 = vector.shape_cast %get3A_486 : vector<16xf32> to vector<16xf32>
    %sub3A_488 = arith.subf %get3A_484, %get3A_487 : vector<16xf32>
    %abs3A_489 = math.absf %sub3A_488 : vector<16xf32>
    %get3A_490 = arith.constant 16 : index
    %get3A_491 = tpu.vector_load %arg17[%get3A_490] {strides = array<i32>} : memref<128xf32, #tpu.memory_space<vmem>>, vector<16xf32>,
    %get3A_492 = vector.shape_cast %get3A_491 : vector<16xf32> to vector<16xf32>
    %get3A_493 = arith.constant 16 : index
    %get3A_494 = tpu.vector_load %arg21[%get3A_493] {strides = array<i32>} : memref<128xf32, #tpu.memory_space<vmem>>, vector<16xf32>,
    %get3A_495 = vector.shape_cast %get3A_494 : vector<16xf32> to vector<16xf32>
    %sub3A_496 = arith.subf %get3A_492, %get3A_495 : vector<16xf32>
    %abs3A_497 = math.absf %sub3A_496 : vector<16xf32>
    %add3A_498 = arith.addf %abs3A_489, %abs3A_497 : vector<16xf32>
    %mul3A_499 = arith.mulf %convert_element_type3A_481, %add3A_498 : vector<16xf32>
    %add3A_500 = arith.addf %add3A_476, %mul3A_499 : vector<16xf32>
    %add3A_501 = arith.addf %add3A_477, %convert_element_type3A_481 : vector<16xf32>
    %get3A_502 = arith.constant 32 : index
    %get3A_503 = tpu.vector_load %arg11[%get3A_502] {strides = array<i32>} : memref<128xi32, #tpu.memory_space<vmem>>, vector<16xi32>,
    %get3A_504 = vector.shape_cast %get3A_503 : vector<16xi32> to vector<16xi32>
    %convert_element_type3A_505 = arith.sitofp %get3A_504 : vector<16xi32> to vector<16xf32>
    %get3A_506 = arith.constant 32 : index
    %get3A_507 = tpu.vector_load %arg16[%get3A_506] {strides = array<i32>} : memref<128xf32, #tpu.memory_space<vmem>>, vector<16xf32>,
    %get3A_508 = vector.shape_cast %get3A_507 : vector<16xf32> to vector<16xf32>
    %get3A_509 = arith.constant 32 : index
    %get3A_510 = tpu.vector_load %arg20[%get3A_509] {strides = array<i32>} : memref<128xf32, #tpu.memory_space<vmem>>, vector<16xf32>,
    %get3A_511 = vector.shape_cast %get3A_510 : vector<16xf32> to vector<16xf32>
    %sub3A_512 = arith.subf %get3A_508, %get3A_511 : vector<16xf32>
    %abs3A_513 = math.absf %sub3A_512 : vector<16xf32>
    %get3A_514 = arith.constant 32 : index
    %get3A_515 = tpu.vector_load %arg17[%get3A_514] {strides = array<i32>} : memref<128xf32, #tpu.memory_space<vmem>>, vector<16xf32>,
    %get3A_516 = vector.shape_cast %get3A_515 : vector<16xf32> to vector<16xf32>
    %get3A_517 = arith.constant 32 : index
    %get3A_518 = tpu.vector_load %arg21[%get3A_517] {strides = array<i32>} : memref<128xf32, #tpu.memory_space<vmem>>, vector<16xf32>,
    %get3A_519 = vector.shape_cast %get3A_518 : vector<16xf32> to vector<16xf32>
    %sub3A_520 = arith.subf %get3A_516, %get3A_519 : vector<16xf32>
    %abs3A_521 = math.absf %sub3A_520 : vector<16xf32>
    %add3A_522 = arith.addf %abs3A_513, %abs3A_521 : vector<16xf32>
    %mul3A_523 = arith.mulf %convert_element_type3A_505, %add3A_522 : vector<16xf32>
    %add3A_524 = arith.addf %add3A_500, %mul3A_523 : vector<16xf32>
    %add3A_525 = arith.addf %add3A_501, %convert_element_type3A_505 : vector<16xf32>
    %get3A_526 = arith.constant 48 : index
    %get3A_527 = tpu.vector_load %arg11[%get3A_526] {strides = array<i32>} : memref<128xi32, #tpu.memory_space<vmem>>, vector<16xi32>,
    %get3A_528 = vector.shape_cast %get3A_527 : vector<16xi32> to vector<16xi32>
    %convert_element_type3A_529 = arith.sitofp %get3A_528 : vector<16xi32> to vector<16xf32>
    %get3A_530 = arith.constant 48 : index
    %get3A_531 = tpu.vector_load %arg16[%get3A_530] {strides = array<i32>} : memref<128xf32, #tpu.memory_space<vmem>>, vector<16xf32>,
    %get3A_532 = vector.shape_cast %get3A_531 : vector<16xf32> to vector<16xf32>
    %get3A_533 = arith.constant 48 : index
    %get3A_534 = tpu.vector_load %arg20[%get3A_533] {strides = array<i32>} : memref<128xf32, #tpu.memory_space<vmem>>, vector<16xf32>,
    %get3A_535 = vector.shape_cast %get3A_534 : vector<16xf32> to vector<16xf32>
    %sub3A_536 = arith.subf %get3A_532, %get3A_535 : vector<16xf32>
    %abs3A_537 = math.absf %sub3A_536 : vector<16xf32>
    %get3A_538 = arith.constant 48 : index
    %get3A_539 = tpu.vector_load %arg17[%get3A_538] {strides = array<i32>} : memref<128xf32, #tpu.memory_space<vmem>>, vector<16xf32>,
    %get3A_540 = vector.shape_cast %get3A_539 : vector<16xf32> to vector<16xf32>
    %get3A_541 = arith.constant 48 : index
    %get3A_542 = tpu.vector_load %arg21[%get3A_541] {strides = array<i32>} : memref<128xf32, #tpu.memory_space<vmem>>, vector<16xf32>,
    %get3A_543 = vector.shape_cast %get3A_542 : vector<16xf32> to vector<16xf32>
    %sub3A_544 = arith.subf %get3A_540, %get3A_543 : vector<16xf32>
    %abs3A_545 = math.absf %sub3A_544 : vector<16xf32>
    %add3A_546 = arith.addf %abs3A_537, %abs3A_545 : vector<16xf32>
    %mul3A_547 = arith.mulf %convert_element_type3A_529, %add3A_546 : vector<16xf32>
    %add3A_548 = arith.addf %add3A_524, %mul3A_547 : vector<16xf32>
    %add3A_549 = arith.addf %add3A_525, %convert_element_type3A_529 : vector<16xf32>
    %get3A_550 = arith.constant 64 : index
    %get3A_551 = tpu.vector_load %arg11[%get3A_550] {strides = array<i32>} : memref<128xi32, #tpu.memory_space<vmem>>, vector<16xi32>,
    %get3A_552 = vector.shape_cast %get3A_551 : vector<16xi32> to vector<16xi32>
    %convert_element_type3A_553 = arith.sitofp %get3A_552 : vector<16xi32> to vector<16xf32>
    %get3A_554 = arith.constant 64 : index
    %get3A_555 = tpu.vector_load %arg16[%get3A_554] {strides = array<i32>} : memref<128xf32, #tpu.memory_space<vmem>>, vector<16xf32>,
    %get3A_556 = vector.shape_cast %get3A_555 : vector<16xf32> to vector<16xf32>
    %get3A_557 = arith.constant 64 : index
    %get3A_558 = tpu.vector_load %arg20[%get3A_557] {strides = array<i32>} : memref<128xf32, #tpu.memory_space<vmem>>, vector<16xf32>,
    %get3A_559 = vector.shape_cast %get3A_558 : vector<16xf32> to vector<16xf32>
    %sub3A_560 = arith.subf %get3A_556, %get3A_559 : vector<16xf32>
    %abs3A_561 = math.absf %sub3A_560 : vector<16xf32>
    %get3A_562 = arith.constant 64 : index
    %get3A_563 = tpu.vector_load %arg17[%get3A_562] {strides = array<i32>} : memref<128xf32, #tpu.memory_space<vmem>>, vector<16xf32>,
    %get3A_564 = vector.shape_cast %get3A_563 : vector<16xf32> to vector<16xf32>
    %get3A_565 = arith.constant 64 : index
    %get3A_566 = tpu.vector_load %arg21[%get3A_565] {strides = array<i32>} : memref<128xf32, #tpu.memory_space<vmem>>, vector<16xf32>,
    %get3A_567 = vector.shape_cast %get3A_566 : vector<16xf32> to vector<16xf32>
    %sub3A_568 = arith.subf %get3A_564, %get3A_567 : vector<16xf32>
    %abs3A_569 = math.absf %sub3A_568 : vector<16xf32>
    %add3A_570 = arith.addf %abs3A_561, %abs3A_569 : vector<16xf32>
    %mul3A_571 = arith.mulf %convert_element_type3A_553, %add3A_570 : vector<16xf32>
    %add3A_572 = arith.addf %add3A_548, %mul3A_571 : vector<16xf32>
    %add3A_573 = arith.addf %add3A_549, %convert_element_type3A_553 : vector<16xf32>
    %get3A_574 = arith.constant 80 : index
    %get3A_575 = tpu.vector_load %arg11[%get3A_574] {strides = array<i32>} : memref<128xi32, #tpu.memory_space<vmem>>, vector<16xi32>,
    %get3A_576 = vector.shape_cast %get3A_575 : vector<16xi32> to vector<16xi32>
    %convert_element_type3A_577 = arith.sitofp %get3A_576 : vector<16xi32> to vector<16xf32>
    %get3A_578 = arith.constant 80 : index
    %get3A_579 = tpu.vector_load %arg16[%get3A_578] {strides = array<i32>} : memref<128xf32, #tpu.memory_space<vmem>>, vector<16xf32>,
    %get3A_580 = vector.shape_cast %get3A_579 : vector<16xf32> to vector<16xf32>
    %get3A_581 = arith.constant 80 : index
    %get3A_582 = tpu.vector_load %arg20[%get3A_581] {strides = array<i32>} : memref<128xf32, #tpu.memory_space<vmem>>, vector<16xf32>,
    %get3A_583 = vector.shape_cast %get3A_582 : vector<16xf32> to vector<16xf32>
    %sub3A_584 = arith.subf %get3A_580, %get3A_583 : vector<16xf32>
    %abs3A_585 = math.absf %sub3A_584 : vector<16xf32>
    %get3A_586 = arith.constant 80 : index
    %get3A_587 = tpu.vector_load %arg17[%get3A_586] {strides = array<i32>} : memref<128xf32, #tpu.memory_space<vmem>>, vector<16xf32>,
    %get3A_588 = vector.shape_cast %get3A_587 : vector<16xf32> to vector<16xf32>
    %get3A_589 = arith.constant 80 : index
    %get3A_590 = tpu.vector_load %arg21[%get3A_589] {strides = array<i32>} : memref<128xf32, #tpu.memory_space<vmem>>, vector<16xf32>,
    %get3A_591 = vector.shape_cast %get3A_590 : vector<16xf32> to vector<16xf32>
    %sub3A_592 = arith.subf %get3A_588, %get3A_591 : vector<16xf32>
    %abs3A_593 = math.absf %sub3A_592 : vector<16xf32>
    %add3A_594 = arith.addf %abs3A_585, %abs3A_593 : vector<16xf32>
    %mul3A_595 = arith.mulf %convert_element_type3A_577, %add3A_594 : vector<16xf32>
    %add3A_596 = arith.addf %add3A_572, %mul3A_595 : vector<16xf32>
    %add3A_597 = arith.addf %add3A_573, %convert_element_type3A_577 : vector<16xf32>
    %get3A_598 = arith.constant 96 : index
    %get3A_599 = tpu.vector_load %arg11[%get3A_598] {strides = array<i32>} : memref<128xi32, #tpu.memory_space<vmem>>, vector<16xi32>,
    %get3A_600 = vector.shape_cast %get3A_599 : vector<16xi32> to vector<16xi32>
    %convert_element_type3A_601 = arith.sitofp %get3A_600 : vector<16xi32> to vector<16xf32>
    %get3A_602 = arith.constant 96 : index
    %get3A_603 = tpu.vector_load %arg16[%get3A_602] {strides = array<i32>} : memref<128xf32, #tpu.memory_space<vmem>>, vector<16xf32>,
    %get3A_604 = vector.shape_cast %get3A_603 : vector<16xf32> to vector<16xf32>
    %get3A_605 = arith.constant 96 : index
    %get3A_606 = tpu.vector_load %arg20[%get3A_605] {strides = array<i32>} : memref<128xf32, #tpu.memory_space<vmem>>, vector<16xf32>,
    %get3A_607 = vector.shape_cast %get3A_606 : vector<16xf32> to vector<16xf32>
    %sub3A_608 = arith.subf %get3A_604, %get3A_607 : vector<16xf32>
    %abs3A_609 = math.absf %sub3A_608 : vector<16xf32>
    %get3A_610 = arith.constant 96 : index
    %get3A_611 = tpu.vector_load %arg17[%get3A_610] {strides = array<i32>} : memref<128xf32, #tpu.memory_space<vmem>>, vector<16xf32>,
    %get3A_612 = vector.shape_cast %get3A_611 : vector<16xf32> to vector<16xf32>
    %get3A_613 = arith.constant 96 : index
    %get3A_614 = tpu.vector_load %arg21[%get3A_613] {strides = array<i32>} : memref<128xf32, #tpu.memory_space<vmem>>, vector<16xf32>,
    %get3A_615 = vector.shape_cast %get3A_614 : vector<16xf32> to vector<16xf32>
    %sub3A_616 = arith.subf %get3A_612, %get3A_615 : vector<16xf32>
    %abs3A_617 = math.absf %sub3A_616 : vector<16xf32>
    %add3A_618 = arith.addf %abs3A_609, %abs3A_617 : vector<16xf32>
    %mul3A_619 = arith.mulf %convert_element_type3A_601, %add3A_618 : vector<16xf32>
    %add3A_620 = arith.addf %add3A_596, %mul3A_619 : vector<16xf32>
    %add3A_621 = arith.addf %add3A_597, %convert_element_type3A_601 : vector<16xf32>
    %get3A_622 = arith.constant 112 : index
    %get3A_623 = tpu.vector_load %arg11[%get3A_622] {strides = array<i32>} : memref<128xi32, #tpu.memory_space<vmem>>, vector<16xi32>,
    %get3A_624 = vector.shape_cast %get3A_623 : vector<16xi32> to vector<16xi32>
    %convert_element_type3A_625 = arith.sitofp %get3A_624 : vector<16xi32> to vector<16xf32>
    %get3A_626 = arith.constant 112 : index
    %get3A_627 = tpu.vector_load %arg16[%get3A_626] {strides = array<i32>} : memref<128xf32, #tpu.memory_space<vmem>>, vector<16xf32>,
    %get3A_628 = vector.shape_cast %get3A_627 : vector<16xf32> to vector<16xf32>
    %get3A_629 = arith.constant 112 : index
    %get3A_630 = tpu.vector_load %arg20[%get3A_629] {strides = array<i32>} : memref<128xf32, #tpu.memory_space<vmem>>, vector<16xf32>,
    %get3A_631 = vector.shape_cast %get3A_630 : vector<16xf32> to vector<16xf32>
    %sub3A_632 = arith.subf %get3A_628, %get3A_631 : vector<16xf32>
    %abs3A_633 = math.absf %sub3A_632 : vector<16xf32>
    %get3A_634 = arith.constant 112 : index
    %get3A_635 = tpu.vector_load %arg17[%get3A_634] {strides = array<i32>} : memref<128xf32, #tpu.memory_space<vmem>>, vector<16xf32>,
    %get3A_636 = vector.shape_cast %get3A_635 : vector<16xf32> to vector<16xf32>
    %get3A_637 = arith.constant 112 : index
    %get3A_638 = tpu.vector_load %arg21[%get3A_637] {strides = array<i32>} : memref<128xf32, #tpu.memory_space<vmem>>, vector<16xf32>,
    %get3A_639 = vector.shape_cast %get3A_638 : vector<16xf32> to vector<16xf32>
    %sub3A_640 = arith.subf %get3A_636, %get3A_639 : vector<16xf32>
    %abs3A_641 = math.absf %sub3A_640 : vector<16xf32>
    %add3A_642 = arith.addf %abs3A_633, %abs3A_641 : vector<16xf32>
    %mul3A_643 = arith.mulf %convert_element_type3A_625, %add3A_642 : vector<16xf32>
    %add3A_644 = arith.addf %add3A_620, %mul3A_643 : vector<16xf32>
    %add3A_645 = arith.addf %add3A_621, %convert_element_type3A_625 : vector<16xf32>
    %swap3A_646 = arith.constant 0 : i32
    %swap3A_647 = arith.index_cast %swap3A_646 : i32 to index
    %swap3A_648 = arith.constant 0 : index
    %swap3A_649 = tpu.vector_load %arg24[%swap3A_647, %swap3A_648] {strides = array<i32>} : memref<1x32xf32, #tpu.memory_space<vmem>>, vector<1x16xf32>,
    %swap3A_650 = vector.shape_cast %swap3A_649 : vector<1x16xf32> to vector<16xf32>
    %swap3A_651 = vector.shape_cast %add3A_644 : vector<16xf32> to vector<1x16xf32>
    tpu.vector_store %arg24[%swap3A_647, %swap3A_648], %swap3A_651 {strides = array<i32>} : memref<1x32xf32, #tpu.memory_space<vmem>>, vector<1x16xf32>,
    %swap3A_652 = arith.constant 0 : i32
    %swap3A_653 = arith.index_cast %swap3A_652 : i32 to index
    %swap3A_654 = arith.constant 16 : index
    %swap3A_655 = tpu.vector_load %arg24[%swap3A_653, %swap3A_654] {strides = array<i32>} : memref<1x32xf32, #tpu.memory_space<vmem>>, vector<1x16xf32>,
    %swap3A_656 = vector.shape_cast %swap3A_655 : vector<1x16xf32> to vector<16xf32>
    %swap3A_657 = vector.shape_cast %add3A_645 : vector<16xf32> to vector<1x16xf32>
    tpu.vector_store %arg24[%swap3A_653, %swap3A_654], %swap3A_657 {strides = array<i32>} : memref<1x32xf32, #tpu.memory_space<vmem>>, vector<1x16xf32>,
    %add3A_658 = arith.constant 16 : i32
    %add3A_659 = arith.addi %add3A_658, %arg1 : i32
    "tpu.region"() ({
      %run_scoped3A = tpu.sem_alloc : memref<!tpu.dma_semaphore, #tpu.memory_space<semaphore_mem>>
      %dma_start3A_667 = arith.constant 0 : i32
      %dma_start3A_668 = tpu.memref_slice %arg7[%add3A_659, %dma_start3A_667] : memref<32x32xf32, #tpu.memory_space<hbm>> -> memref<1x32xf32, #tpu.memory_space<hbm>>
      %dma_start3A_669 = arith.constant 0 : i32
      %dma_start3A_670 = tpu.memref_slice %arg7[%add3A_659, %dma_start3A_669] : memref<32x32xf32, #tpu.memory_space<hbm>> -> memref<1x32xf32, #tpu.memory_space<hbm>>
      tpu.enqueue_dma source(%arg24 : memref<1x32xf32, #tpu.memory_space<vmem>>) target(%dma_start3A_670 : memref<1x32xf32, #tpu.memory_space<hbm>>) target_semaphore(%run_scoped3A : memref<!tpu.dma_semaphore, #tpu.memory_space<semaphore_mem>>)
      %dma_wait3A_671 = arith.constant 0 : i32
      %dma_wait3A_672 = tpu.memref_slice %arg7[%add3A_659, %dma_wait3A_671] : memref<32x32xf32, #tpu.memory_space<hbm>> -> memref<1x32xf32, #tpu.memory_space<hbm>>
      %dma_wait3A_673 = arith.constant 0 : i32
      %dma_wait3A_674 = tpu.memref_slice %arg7[%add3A_659, %dma_wait3A_673] : memref<32x32xf32, #tpu.memory_space<hbm>> -> memref<1x32xf32, #tpu.memory_space<hbm>>
      tpu.wait_dma2 semaphore(%run_scoped3A : memref<!tpu.dma_semaphore, #tpu.memory_space<semaphore_mem>>) src(%arg24 : memref<1x32xf32, #tpu.memory_space<vmem>>) dst(%dma_wait3A_674 : memref<1x32xf32, #tpu.memory_space<hbm>>)
      tpu.yield
    }) : () -> ()
    %dma_wait3A_660 = arith.constant 0 : i32
    %dma_wait3A_661 = tpu.memref_slice %arg7[%arg1, %dma_wait3A_660] : memref<32x32xf32, #tpu.memory_space<hbm>> -> memref<1x32xf32, #tpu.memory_space<hbm>>
    %dma_wait3A_662 = arith.constant 0 : i32
    %dma_wait3A_663 = tpu.memref_slice %arg7[%arg1, %dma_wait3A_662] : memref<32x32xf32, #tpu.memory_space<hbm>> -> memref<1x32xf32, #tpu.memory_space<hbm>>
    tpu.wait_dma2 semaphore(%arg30 : memref<!tpu.dma_semaphore, #tpu.memory_space<semaphore_mem>>) src(%arg23 : memref<1x32xf32, #tpu.memory_space<vmem>>) dst(%dma_wait3A_663 : memref<1x32xf32, #tpu.memory_space<hbm>>)
    %barrier3A = arith.constant 0 : index
    tpu.barrier barrier_id(%barrier3A)
    %eq3A = arith.constant 0 : i32
    %eq3A_664 = arith.cmpi eq, %arg1, %eq3A : i32
    %convert_element_type3A_665 = arith.extui %eq3A_664 : i1 to i32
    %cond3A = arith.constant 0 : i32
    %cond3A_666 = arith.cmpi ne, %convert_element_type3A_665, %cond3A : i32
    scf.if %cond3A_666 {
      "tpu.region"() ({
        %run_scoped3A = tpu.sem_alloc : memref<!tpu.dma_semaphore, #tpu.memory_space<semaphore_mem>>
        tpu.enqueue_dma source(%arg7 : memref<32x32xf32, #tpu.memory_space<hbm>>) target(%arg22 : memref<32x32xf32, #tpu.memory_space<vmem>>) target_semaphore(%run_scoped3A : memref<!tpu.dma_semaphore, #tpu.memory_space<semaphore_mem>>)
        tpu.wait_dma2 semaphore(%run_scoped3A : memref<!tpu.dma_semaphore, #tpu.memory_space<semaphore_mem>>) src(%arg7 : memref<32x32xf32, #tpu.memory_space<hbm>>) dst(%arg22 : memref<32x32xf32, #tpu.memory_space<vmem>>)
        tpu.yield
      }) : () -> ()
      %broadcast_in_dim3A_667 = arith.constant 0.000000e+00 : f32
      %broadcast_in_dim3A_668 = vector.broadcast %broadcast_in_dim3A_667 : f32 to vector<16xf32>
      %broadcast_in_dim3A_669 = arith.constant 0.000000e+00 : f32
      %broadcast_in_dim3A_670 = vector.broadcast %broadcast_in_dim3A_669 : f32 to vector<16xf32>
      %get3A_671 = arith.constant 0 : i32
      %get3A_672 = arith.index_cast %get3A_671 : i32 to index
      %get3A_673 = arith.constant 0 : index
      %get3A_674 = tpu.vector_load %arg22[%get3A_672, %get3A_673] {strides = array<i32>} : memref<32x32xf32, #tpu.memory_space<vmem>>, vector<1x16xf32>,
      %get3A_675 = vector.shape_cast %get3A_674 : vector<1x16xf32> to vector<16xf32>
      %add3A_676 = arith.addf %broadcast_in_dim3A_668, %get3A_675 : vector<16xf32>
      %get3A_677 = arith.constant 0 : i32
      %get3A_678 = arith.index_cast %get3A_677 : i32 to index
      %get3A_679 = arith.constant 16 : index
      %get3A_680 = tpu.vector_load %arg22[%get3A_678, %get3A_679] {strides = array<i32>} : memref<32x32xf32, #tpu.memory_space<vmem>>, vector<1x16xf32>,
      %get3A_681 = vector.shape_cast %get3A_680 : vector<1x16xf32> to vector<16xf32>
      %add3A_682 = arith.addf %broadcast_in_dim3A_670, %get3A_681 : vector<16xf32>
      %get3A_683 = arith.constant 1 : i32
      %get3A_684 = arith.index_cast %get3A_683 : i32 to index
      %get3A_685 = arith.constant 0 : index
      %get3A_686 = tpu.vector_load %arg22[%get3A_684, %get3A_685] {strides = array<i32>} : memref<32x32xf32, #tpu.memory_space<vmem>>, vector<1x16xf32>,
      %get3A_687 = vector.shape_cast %get3A_686 : vector<1x16xf32> to vector<16xf32>
      %add3A_688 = arith.addf %add3A_676, %get3A_687 : vector<16xf32>
      %get3A_689 = arith.constant 1 : i32
      %get3A_690 = arith.index_cast %get3A_689 : i32 to index
      %get3A_691 = arith.constant 16 : index
      %get3A_692 = tpu.vector_load %arg22[%get3A_690, %get3A_691] {strides = array<i32>} : memref<32x32xf32, #tpu.memory_space<vmem>>, vector<1x16xf32>,
      %get3A_693 = vector.shape_cast %get3A_692 : vector<1x16xf32> to vector<16xf32>
      %add3A_694 = arith.addf %add3A_682, %get3A_693 : vector<16xf32>
      %get3A_695 = arith.constant 2 : i32
      %get3A_696 = arith.index_cast %get3A_695 : i32 to index
      %get3A_697 = arith.constant 0 : index
      %get3A_698 = tpu.vector_load %arg22[%get3A_696, %get3A_697] {strides = array<i32>} : memref<32x32xf32, #tpu.memory_space<vmem>>, vector<1x16xf32>,
      %get3A_699 = vector.shape_cast %get3A_698 : vector<1x16xf32> to vector<16xf32>
      %add3A_700 = arith.addf %add3A_688, %get3A_699 : vector<16xf32>
      %get3A_701 = arith.constant 2 : i32
      %get3A_702 = arith.index_cast %get3A_701 : i32 to index
      %get3A_703 = arith.constant 16 : index
      %get3A_704 = tpu.vector_load %arg22[%get3A_702, %get3A_703] {strides = array<i32>} : memref<32x32xf32, #tpu.memory_space<vmem>>, vector<1x16xf32>,
      %get3A_705 = vector.shape_cast %get3A_704 : vector<1x16xf32> to vector<16xf32>
      %add3A_706 = arith.addf %add3A_694, %get3A_705 : vector<16xf32>
      %get3A_707 = arith.constant 3 : i32
      %get3A_708 = arith.index_cast %get3A_707 : i32 to index
      %get3A_709 = arith.constant 0 : index
      %get3A_710 = tpu.vector_load %arg22[%get3A_708, %get3A_709] {strides = array<i32>} : memref<32x32xf32, #tpu.memory_space<vmem>>, vector<1x16xf32>,
      %get3A_711 = vector.shape_cast %get3A_710 : vector<1x16xf32> to vector<16xf32>
      %add3A_712 = arith.addf %add3A_700, %get3A_711 : vector<16xf32>
      %get3A_713 = arith.constant 3 : i32
      %get3A_714 = arith.index_cast %get3A_713 : i32 to index
      %get3A_715 = arith.constant 16 : index
      %get3A_716 = tpu.vector_load %arg22[%get3A_714, %get3A_715] {strides = array<i32>} : memref<32x32xf32, #tpu.memory_space<vmem>>, vector<1x16xf32>,
      %get3A_717 = vector.shape_cast %get3A_716 : vector<1x16xf32> to vector<16xf32>
      %add3A_718 = arith.addf %add3A_706, %get3A_717 : vector<16xf32>
      %get3A_719 = arith.constant 4 : i32
      %get3A_720 = arith.index_cast %get3A_719 : i32 to index
      %get3A_721 = arith.constant 0 : index
      %get3A_722 = tpu.vector_load %arg22[%get3A_720, %get3A_721] {strides = array<i32>} : memref<32x32xf32, #tpu.memory_space<vmem>>, vector<1x16xf32>,
      %get3A_723 = vector.shape_cast %get3A_722 : vector<1x16xf32> to vector<16xf32>
      %add3A_724 = arith.addf %add3A_712, %get3A_723 : vector<16xf32>
      %get3A_725 = arith.constant 4 : i32
      %get3A_726 = arith.index_cast %get3A_725 : i32 to index
      %get3A_727 = arith.constant 16 : index
      %get3A_728 = tpu.vector_load %arg22[%get3A_726, %get3A_727] {strides = array<i32>} : memref<32x32xf32, #tpu.memory_space<vmem>>, vector<1x16xf32>,
      %get3A_729 = vector.shape_cast %get3A_728 : vector<1x16xf32> to vector<16xf32>
      %add3A_730 = arith.addf %add3A_718, %get3A_729 : vector<16xf32>
      %get3A_731 = arith.constant 5 : i32
      %get3A_732 = arith.index_cast %get3A_731 : i32 to index
      %get3A_733 = arith.constant 0 : index
      %get3A_734 = tpu.vector_load %arg22[%get3A_732, %get3A_733] {strides = array<i32>} : memref<32x32xf32, #tpu.memory_space<vmem>>, vector<1x16xf32>,
      %get3A_735 = vector.shape_cast %get3A_734 : vector<1x16xf32> to vector<16xf32>
      %add3A_736 = arith.addf %add3A_724, %get3A_735 : vector<16xf32>
      %get3A_737 = arith.constant 5 : i32
      %get3A_738 = arith.index_cast %get3A_737 : i32 to index
      %get3A_739 = arith.constant 16 : index
      %get3A_740 = tpu.vector_load %arg22[%get3A_738, %get3A_739] {strides = array<i32>} : memref<32x32xf32, #tpu.memory_space<vmem>>, vector<1x16xf32>,
      %get3A_741 = vector.shape_cast %get3A_740 : vector<1x16xf32> to vector<16xf32>
      %add3A_742 = arith.addf %add3A_730, %get3A_741 : vector<16xf32>
      %get3A_743 = arith.constant 6 : i32
      %get3A_744 = arith.index_cast %get3A_743 : i32 to index
      %get3A_745 = arith.constant 0 : index
      %get3A_746 = tpu.vector_load %arg22[%get3A_744, %get3A_745] {strides = array<i32>} : memref<32x32xf32, #tpu.memory_space<vmem>>, vector<1x16xf32>,
      %get3A_747 = vector.shape_cast %get3A_746 : vector<1x16xf32> to vector<16xf32>
      %add3A_748 = arith.addf %add3A_736, %get3A_747 : vector<16xf32>
      %get3A_749 = arith.constant 6 : i32
      %get3A_750 = arith.index_cast %get3A_749 : i32 to index
      %get3A_751 = arith.constant 16 : index
      %get3A_752 = tpu.vector_load %arg22[%get3A_750, %get3A_751] {strides = array<i32>} : memref<32x32xf32, #tpu.memory_space<vmem>>, vector<1x16xf32>,
      %get3A_753 = vector.shape_cast %get3A_752 : vector<1x16xf32> to vector<16xf32>
      %add3A_754 = arith.addf %add3A_742, %get3A_753 : vector<16xf32>
      %get3A_755 = arith.constant 7 : i32
      %get3A_756 = arith.index_cast %get3A_755 : i32 to index
      %get3A_757 = arith.constant 0 : index
      %get3A_758 = tpu.vector_load %arg22[%get3A_756, %get3A_757] {strides = array<i32>} : memref<32x32xf32, #tpu.memory_space<vmem>>, vector<1x16xf32>,
      %get3A_759 = vector.shape_cast %get3A_758 : vector<1x16xf32> to vector<16xf32>
      %add3A_760 = arith.addf %add3A_748, %get3A_759 : vector<16xf32>
      %get3A_761 = arith.constant 7 : i32
      %get3A_762 = arith.index_cast %get3A_761 : i32 to index
      %get3A_763 = arith.constant 16 : index
      %get3A_764 = tpu.vector_load %arg22[%get3A_762, %get3A_763] {strides = array<i32>} : memref<32x32xf32, #tpu.memory_space<vmem>>, vector<1x16xf32>,
      %get3A_765 = vector.shape_cast %get3A_764 : vector<1x16xf32> to vector<16xf32>
      %add3A_766 = arith.addf %add3A_754, %get3A_765 : vector<16xf32>
      %get3A_767 = arith.constant 8 : i32
      %get3A_768 = arith.index_cast %get3A_767 : i32 to index
      %get3A_769 = arith.constant 0 : index
      %get3A_770 = tpu.vector_load %arg22[%get3A_768, %get3A_769] {strides = array<i32>} : memref<32x32xf32, #tpu.memory_space<vmem>>, vector<1x16xf32>,
      %get3A_771 = vector.shape_cast %get3A_770 : vector<1x16xf32> to vector<16xf32>
      %add3A_772 = arith.addf %add3A_760, %get3A_771 : vector<16xf32>
      %get3A_773 = arith.constant 8 : i32
      %get3A_774 = arith.index_cast %get3A_773 : i32 to index
      %get3A_775 = arith.constant 16 : index
      %get3A_776 = tpu.vector_load %arg22[%get3A_774, %get3A_775] {strides = array<i32>} : memref<32x32xf32, #tpu.memory_space<vmem>>, vector<1x16xf32>,
      %get3A_777 = vector.shape_cast %get3A_776 : vector<1x16xf32> to vector<16xf32>
      %add3A_778 = arith.addf %add3A_766, %get3A_777 : vector<16xf32>
      %get3A_779 = arith.constant 9 : i32
      %get3A_780 = arith.index_cast %get3A_779 : i32 to index
      %get3A_781 = arith.constant 0 : index
      %get3A_782 = tpu.vector_load %arg22[%get3A_780, %get3A_781] {strides = array<i32>} : memref<32x32xf32, #tpu.memory_space<vmem>>, vector<1x16xf32>,
      %get3A_783 = vector.shape_cast %get3A_782 : vector<1x16xf32> to vector<16xf32>
      %add3A_784 = arith.addf %add3A_772, %get3A_783 : vector<16xf32>
      %get3A_785 = arith.constant 9 : i32
      %get3A_786 = arith.index_cast %get3A_785 : i32 to index
      %get3A_787 = arith.constant 16 : index
      %get3A_788 = tpu.vector_load %arg22[%get3A_786, %get3A_787] {strides = array<i32>} : memref<32x32xf32, #tpu.memory_space<vmem>>, vector<1x16xf32>,
      %get3A_789 = vector.shape_cast %get3A_788 : vector<1x16xf32> to vector<16xf32>
      %add3A_790 = arith.addf %add3A_778, %get3A_789 : vector<16xf32>
      %get3A_791 = arith.constant 10 : i32
      %get3A_792 = arith.index_cast %get3A_791 : i32 to index
      %get3A_793 = arith.constant 0 : index
      %get3A_794 = tpu.vector_load %arg22[%get3A_792, %get3A_793] {strides = array<i32>} : memref<32x32xf32, #tpu.memory_space<vmem>>, vector<1x16xf32>,
      %get3A_795 = vector.shape_cast %get3A_794 : vector<1x16xf32> to vector<16xf32>
      %add3A_796 = arith.addf %add3A_784, %get3A_795 : vector<16xf32>
      %get3A_797 = arith.constant 10 : i32
      %get3A_798 = arith.index_cast %get3A_797 : i32 to index
      %get3A_799 = arith.constant 16 : index
      %get3A_800 = tpu.vector_load %arg22[%get3A_798, %get3A_799] {strides = array<i32>} : memref<32x32xf32, #tpu.memory_space<vmem>>, vector<1x16xf32>,
      %get3A_801 = vector.shape_cast %get3A_800 : vector<1x16xf32> to vector<16xf32>
      %add3A_802 = arith.addf %add3A_790, %get3A_801 : vector<16xf32>
      %get3A_803 = arith.constant 11 : i32
      %get3A_804 = arith.index_cast %get3A_803 : i32 to index
      %get3A_805 = arith.constant 0 : index
      %get3A_806 = tpu.vector_load %arg22[%get3A_804, %get3A_805] {strides = array<i32>} : memref<32x32xf32, #tpu.memory_space<vmem>>, vector<1x16xf32>,
      %get3A_807 = vector.shape_cast %get3A_806 : vector<1x16xf32> to vector<16xf32>
      %add3A_808 = arith.addf %add3A_796, %get3A_807 : vector<16xf32>
      %get3A_809 = arith.constant 11 : i32
      %get3A_810 = arith.index_cast %get3A_809 : i32 to index
      %get3A_811 = arith.constant 16 : index
      %get3A_812 = tpu.vector_load %arg22[%get3A_810, %get3A_811] {strides = array<i32>} : memref<32x32xf32, #tpu.memory_space<vmem>>, vector<1x16xf32>,
      %get3A_813 = vector.shape_cast %get3A_812 : vector<1x16xf32> to vector<16xf32>
      %add3A_814 = arith.addf %add3A_802, %get3A_813 : vector<16xf32>
      %get3A_815 = arith.constant 12 : i32
      %get3A_816 = arith.index_cast %get3A_815 : i32 to index
      %get3A_817 = arith.constant 0 : index
      %get3A_818 = tpu.vector_load %arg22[%get3A_816, %get3A_817] {strides = array<i32>} : memref<32x32xf32, #tpu.memory_space<vmem>>, vector<1x16xf32>,
      %get3A_819 = vector.shape_cast %get3A_818 : vector<1x16xf32> to vector<16xf32>
      %add3A_820 = arith.addf %add3A_808, %get3A_819 : vector<16xf32>
      %get3A_821 = arith.constant 12 : i32
      %get3A_822 = arith.index_cast %get3A_821 : i32 to index
      %get3A_823 = arith.constant 16 : index
      %get3A_824 = tpu.vector_load %arg22[%get3A_822, %get3A_823] {strides = array<i32>} : memref<32x32xf32, #tpu.memory_space<vmem>>, vector<1x16xf32>,
      %get3A_825 = vector.shape_cast %get3A_824 : vector<1x16xf32> to vector<16xf32>
      %add3A_826 = arith.addf %add3A_814, %get3A_825 : vector<16xf32>
      %get3A_827 = arith.constant 13 : i32
      %get3A_828 = arith.index_cast %get3A_827 : i32 to index
      %get3A_829 = arith.constant 0 : index
      %get3A_830 = tpu.vector_load %arg22[%get3A_828, %get3A_829] {strides = array<i32>} : memref<32x32xf32, #tpu.memory_space<vmem>>, vector<1x16xf32>,
      %get3A_831 = vector.shape_cast %get3A_830 : vector<1x16xf32> to vector<16xf32>
      %add3A_832 = arith.addf %add3A_820, %get3A_831 : vector<16xf32>
      %get3A_833 = arith.constant 13 : i32
      %get3A_834 = arith.index_cast %get3A_833 : i32 to index
      %get3A_835 = arith.constant 16 : index
      %get3A_836 = tpu.vector_load %arg22[%get3A_834, %get3A_835] {strides = array<i32>} : memref<32x32xf32, #tpu.memory_space<vmem>>, vector<1x16xf32>,
      %get3A_837 = vector.shape_cast %get3A_836 : vector<1x16xf32> to vector<16xf32>
      %add3A_838 = arith.addf %add3A_826, %get3A_837 : vector<16xf32>
      %get3A_839 = arith.constant 14 : i32
      %get3A_840 = arith.index_cast %get3A_839 : i32 to index
      %get3A_841 = arith.constant 0 : index
      %get3A_842 = tpu.vector_load %arg22[%get3A_840, %get3A_841] {strides = array<i32>} : memref<32x32xf32, #tpu.memory_space<vmem>>, vector<1x16xf32>,
      %get3A_843 = vector.shape_cast %get3A_842 : vector<1x16xf32> to vector<16xf32>
      %add3A_844 = arith.addf %add3A_832, %get3A_843 : vector<16xf32>
      %get3A_845 = arith.constant 14 : i32
      %get3A_846 = arith.index_cast %get3A_845 : i32 to index
      %get3A_847 = arith.constant 16 : index
      %get3A_848 = tpu.vector_load %arg22[%get3A_846, %get3A_847] {strides = array<i32>} : memref<32x32xf32, #tpu.memory_space<vmem>>, vector<1x16xf32>,
      %get3A_849 = vector.shape_cast %get3A_848 : vector<1x16xf32> to vector<16xf32>
      %add3A_850 = arith.addf %add3A_838, %get3A_849 : vector<16xf32>
      %get3A_851 = arith.constant 15 : i32
      %get3A_852 = arith.index_cast %get3A_851 : i32 to index
      %get3A_853 = arith.constant 0 : index
      %get3A_854 = tpu.vector_load %arg22[%get3A_852, %get3A_853] {strides = array<i32>} : memref<32x32xf32, #tpu.memory_space<vmem>>, vector<1x16xf32>,
      %get3A_855 = vector.shape_cast %get3A_854 : vector<1x16xf32> to vector<16xf32>
      %add3A_856 = arith.addf %add3A_844, %get3A_855 : vector<16xf32>
      %get3A_857 = arith.constant 15 : i32
      %get3A_858 = arith.index_cast %get3A_857 : i32 to index
      %get3A_859 = arith.constant 16 : index
      %get3A_860 = tpu.vector_load %arg22[%get3A_858, %get3A_859] {strides = array<i32>} : memref<32x32xf32, #tpu.memory_space<vmem>>, vector<1x16xf32>,
      %get3A_861 = vector.shape_cast %get3A_860 : vector<1x16xf32> to vector<16xf32>
      %add3A_862 = arith.addf %add3A_850, %get3A_861 : vector<16xf32>
      %get3A_863 = arith.constant 16 : i32
      %get3A_864 = arith.index_cast %get3A_863 : i32 to index
      %get3A_865 = arith.constant 0 : index
      %get3A_866 = tpu.vector_load %arg22[%get3A_864, %get3A_865] {strides = array<i32>} : memref<32x32xf32, #tpu.memory_space<vmem>>, vector<1x16xf32>,
      %get3A_867 = vector.shape_cast %get3A_866 : vector<1x16xf32> to vector<16xf32>
      %add3A_868 = arith.addf %add3A_856, %get3A_867 : vector<16xf32>
      %get3A_869 = arith.constant 16 : i32
      %get3A_870 = arith.index_cast %get3A_869 : i32 to index
      %get3A_871 = arith.constant 16 : index
      %get3A_872 = tpu.vector_load %arg22[%get3A_870, %get3A_871] {strides = array<i32>} : memref<32x32xf32, #tpu.memory_space<vmem>>, vector<1x16xf32>,
      %get3A_873 = vector.shape_cast %get3A_872 : vector<1x16xf32> to vector<16xf32>
      %add3A_874 = arith.addf %add3A_862, %get3A_873 : vector<16xf32>
      %get3A_875 = arith.constant 17 : i32
      %get3A_876 = arith.index_cast %get3A_875 : i32 to index
      %get3A_877 = arith.constant 0 : index
      %get3A_878 = tpu.vector_load %arg22[%get3A_876, %get3A_877] {strides = array<i32>} : memref<32x32xf32, #tpu.memory_space<vmem>>, vector<1x16xf32>,
      %get3A_879 = vector.shape_cast %get3A_878 : vector<1x16xf32> to vector<16xf32>
      %add3A_880 = arith.addf %add3A_868, %get3A_879 : vector<16xf32>
      %get3A_881 = arith.constant 17 : i32
      %get3A_882 = arith.index_cast %get3A_881 : i32 to index
      %get3A_883 = arith.constant 16 : index
      %get3A_884 = tpu.vector_load %arg22[%get3A_882, %get3A_883] {strides = array<i32>} : memref<32x32xf32, #tpu.memory_space<vmem>>, vector<1x16xf32>,
      %get3A_885 = vector.shape_cast %get3A_884 : vector<1x16xf32> to vector<16xf32>
      %add3A_886 = arith.addf %add3A_874, %get3A_885 : vector<16xf32>
      %get3A_887 = arith.constant 18 : i32
      %get3A_888 = arith.index_cast %get3A_887 : i32 to index
      %get3A_889 = arith.constant 0 : index
      %get3A_890 = tpu.vector_load %arg22[%get3A_888, %get3A_889] {strides = array<i32>} : memref<32x32xf32, #tpu.memory_space<vmem>>, vector<1x16xf32>,
      %get3A_891 = vector.shape_cast %get3A_890 : vector<1x16xf32> to vector<16xf32>
      %add3A_892 = arith.addf %add3A_880, %get3A_891 : vector<16xf32>
      %get3A_893 = arith.constant 18 : i32
      %get3A_894 = arith.index_cast %get3A_893 : i32 to index
      %get3A_895 = arith.constant 16 : index
      %get3A_896 = tpu.vector_load %arg22[%get3A_894, %get3A_895] {strides = array<i32>} : memref<32x32xf32, #tpu.memory_space<vmem>>, vector<1x16xf32>,
      %get3A_897 = vector.shape_cast %get3A_896 : vector<1x16xf32> to vector<16xf32>
      %add3A_898 = arith.addf %add3A_886, %get3A_897 : vector<16xf32>
      %get3A_899 = arith.constant 19 : i32
      %get3A_900 = arith.index_cast %get3A_899 : i32 to index
      %get3A_901 = arith.constant 0 : index
      %get3A_902 = tpu.vector_load %arg22[%get3A_900, %get3A_901] {strides = array<i32>} : memref<32x32xf32, #tpu.memory_space<vmem>>, vector<1x16xf32>,
      %get3A_903 = vector.shape_cast %get3A_902 : vector<1x16xf32> to vector<16xf32>
      %add3A_904 = arith.addf %add3A_892, %get3A_903 : vector<16xf32>
      %get3A_905 = arith.constant 19 : i32
      %get3A_906 = arith.index_cast %get3A_905 : i32 to index
      %get3A_907 = arith.constant 16 : index
      %get3A_908 = tpu.vector_load %arg22[%get3A_906, %get3A_907] {strides = array<i32>} : memref<32x32xf32, #tpu.memory_space<vmem>>, vector<1x16xf32>,
      %get3A_909 = vector.shape_cast %get3A_908 : vector<1x16xf32> to vector<16xf32>
      %add3A_910 = arith.addf %add3A_898, %get3A_909 : vector<16xf32>
      %get3A_911 = arith.constant 20 : i32
      %get3A_912 = arith.index_cast %get3A_911 : i32 to index
      %get3A_913 = arith.constant 0 : index
      %get3A_914 = tpu.vector_load %arg22[%get3A_912, %get3A_913] {strides = array<i32>} : memref<32x32xf32, #tpu.memory_space<vmem>>, vector<1x16xf32>,
      %get3A_915 = vector.shape_cast %get3A_914 : vector<1x16xf32> to vector<16xf32>
      %add3A_916 = arith.addf %add3A_904, %get3A_915 : vector<16xf32>
      %get3A_917 = arith.constant 20 : i32
      %get3A_918 = arith.index_cast %get3A_917 : i32 to index
      %get3A_919 = arith.constant 16 : index
      %get3A_920 = tpu.vector_load %arg22[%get3A_918, %get3A_919] {strides = array<i32>} : memref<32x32xf32, #tpu.memory_space<vmem>>, vector<1x16xf32>,
      %get3A_921 = vector.shape_cast %get3A_920 : vector<1x16xf32> to vector<16xf32>
      %add3A_922 = arith.addf %add3A_910, %get3A_921 : vector<16xf32>
      %get3A_923 = arith.constant 21 : i32
      %get3A_924 = arith.index_cast %get3A_923 : i32 to index
      %get3A_925 = arith.constant 0 : index
      %get3A_926 = tpu.vector_load %arg22[%get3A_924, %get3A_925] {strides = array<i32>} : memref<32x32xf32, #tpu.memory_space<vmem>>, vector<1x16xf32>,
      %get3A_927 = vector.shape_cast %get3A_926 : vector<1x16xf32> to vector<16xf32>
      %add3A_928 = arith.addf %add3A_916, %get3A_927 : vector<16xf32>
      %get3A_929 = arith.constant 21 : i32
      %get3A_930 = arith.index_cast %get3A_929 : i32 to index
      %get3A_931 = arith.constant 16 : index
      %get3A_932 = tpu.vector_load %arg22[%get3A_930, %get3A_931] {strides = array<i32>} : memref<32x32xf32, #tpu.memory_space<vmem>>, vector<1x16xf32>,
      %get3A_933 = vector.shape_cast %get3A_932 : vector<1x16xf32> to vector<16xf32>
      %add3A_934 = arith.addf %add3A_922, %get3A_933 : vector<16xf32>
      %get3A_935 = arith.constant 22 : i32
      %get3A_936 = arith.index_cast %get3A_935 : i32 to index
      %get3A_937 = arith.constant 0 : index
      %get3A_938 = tpu.vector_load %arg22[%get3A_936, %get3A_937] {strides = array<i32>} : memref<32x32xf32, #tpu.memory_space<vmem>>, vector<1x16xf32>,
      %get3A_939 = vector.shape_cast %get3A_938 : vector<1x16xf32> to vector<16xf32>
      %add3A_940 = arith.addf %add3A_928, %get3A_939 : vector<16xf32>
      %get3A_941 = arith.constant 22 : i32
      %get3A_942 = arith.index_cast %get3A_941 : i32 to index
      %get3A_943 = arith.constant 16 : index
      %get3A_944 = tpu.vector_load %arg22[%get3A_942, %get3A_943] {strides = array<i32>} : memref<32x32xf32, #tpu.memory_space<vmem>>, vector<1x16xf32>,
      %get3A_945 = vector.shape_cast %get3A_944 : vector<1x16xf32> to vector<16xf32>
      %add3A_946 = arith.addf %add3A_934, %get3A_945 : vector<16xf32>
      %get3A_947 = arith.constant 23 : i32
      %get3A_948 = arith.index_cast %get3A_947 : i32 to index
      %get3A_949 = arith.constant 0 : index
      %get3A_950 = tpu.vector_load %arg22[%get3A_948, %get3A_949] {strides = array<i32>} : memref<32x32xf32, #tpu.memory_space<vmem>>, vector<1x16xf32>,
      %get3A_951 = vector.shape_cast %get3A_950 : vector<1x16xf32> to vector<16xf32>
      %add3A_952 = arith.addf %add3A_940, %get3A_951 : vector<16xf32>
      %get3A_953 = arith.constant 23 : i32
      %get3A_954 = arith.index_cast %get3A_953 : i32 to index
      %get3A_955 = arith.constant 16 : index
      %get3A_956 = tpu.vector_load %arg22[%get3A_954, %get3A_955] {strides = array<i32>} : memref<32x32xf32, #tpu.memory_space<vmem>>, vector<1x16xf32>,
      %get3A_957 = vector.shape_cast %get3A_956 : vector<1x16xf32> to vector<16xf32>
      %add3A_958 = arith.addf %add3A_946, %get3A_957 : vector<16xf32>
      %get3A_959 = arith.constant 24 : i32
      %get3A_960 = arith.index_cast %get3A_959 : i32 to index
      %get3A_961 = arith.constant 0 : index
      %get3A_962 = tpu.vector_load %arg22[%get3A_960, %get3A_961] {strides = array<i32>} : memref<32x32xf32, #tpu.memory_space<vmem>>, vector<1x16xf32>,
      %get3A_963 = vector.shape_cast %get3A_962 : vector<1x16xf32> to vector<16xf32>
      %add3A_964 = arith.addf %add3A_952, %get3A_963 : vector<16xf32>
      %get3A_965 = arith.constant 24 : i32
      %get3A_966 = arith.index_cast %get3A_965 : i32 to index
      %get3A_967 = arith.constant 16 : index
      %get3A_968 = tpu.vector_load %arg22[%get3A_966, %get3A_967] {strides = array<i32>} : memref<32x32xf32, #tpu.memory_space<vmem>>, vector<1x16xf32>,
      %get3A_969 = vector.shape_cast %get3A_968 : vector<1x16xf32> to vector<16xf32>
      %add3A_970 = arith.addf %add3A_958, %get3A_969 : vector<16xf32>
      %get3A_971 = arith.constant 25 : i32
      %get3A_972 = arith.index_cast %get3A_971 : i32 to index
      %get3A_973 = arith.constant 0 : index
      %get3A_974 = tpu.vector_load %arg22[%get3A_972, %get3A_973] {strides = array<i32>} : memref<32x32xf32, #tpu.memory_space<vmem>>, vector<1x16xf32>,
      %get3A_975 = vector.shape_cast %get3A_974 : vector<1x16xf32> to vector<16xf32>
      %add3A_976 = arith.addf %add3A_964, %get3A_975 : vector<16xf32>
      %get3A_977 = arith.constant 25 : i32
      %get3A_978 = arith.index_cast %get3A_977 : i32 to index
      %get3A_979 = arith.constant 16 : index
      %get3A_980 = tpu.vector_load %arg22[%get3A_978, %get3A_979] {strides = array<i32>} : memref<32x32xf32, #tpu.memory_space<vmem>>, vector<1x16xf32>,
      %get3A_981 = vector.shape_cast %get3A_980 : vector<1x16xf32> to vector<16xf32>
      %add3A_982 = arith.addf %add3A_970, %get3A_981 : vector<16xf32>
      %get3A_983 = arith.constant 26 : i32
      %get3A_984 = arith.index_cast %get3A_983 : i32 to index
      %get3A_985 = arith.constant 0 : index
      %get3A_986 = tpu.vector_load %arg22[%get3A_984, %get3A_985] {strides = array<i32>} : memref<32x32xf32, #tpu.memory_space<vmem>>, vector<1x16xf32>,
      %get3A_987 = vector.shape_cast %get3A_986 : vector<1x16xf32> to vector<16xf32>
      %add3A_988 = arith.addf %add3A_976, %get3A_987 : vector<16xf32>
      %get3A_989 = arith.constant 26 : i32
      %get3A_990 = arith.index_cast %get3A_989 : i32 to index
      %get3A_991 = arith.constant 16 : index
      %get3A_992 = tpu.vector_load %arg22[%get3A_990, %get3A_991] {strides = array<i32>} : memref<32x32xf32, #tpu.memory_space<vmem>>, vector<1x16xf32>,
      %get3A_993 = vector.shape_cast %get3A_992 : vector<1x16xf32> to vector<16xf32>
      %add3A_994 = arith.addf %add3A_982, %get3A_993 : vector<16xf32>
      %get3A_995 = arith.constant 27 : i32
      %get3A_996 = arith.index_cast %get3A_995 : i32 to index
      %get3A_997 = arith.constant 0 : index
      %get3A_998 = tpu.vector_load %arg22[%get3A_996, %get3A_997] {strides = array<i32>} : memref<32x32xf32, #tpu.memory_space<vmem>>, vector<1x16xf32>,
      %get3A_999 = vector.shape_cast %get3A_998 : vector<1x16xf32> to vector<16xf32>
      %add3A_1000 = arith.addf %add3A_988, %get3A_999 : vector<16xf32>
      %get3A_1001 = arith.constant 27 : i32
      %get3A_1002 = arith.index_cast %get3A_1001 : i32 to index
      %get3A_1003 = arith.constant 16 : index
      %get3A_1004 = tpu.vector_load %arg22[%get3A_1002, %get3A_1003] {strides = array<i32>} : memref<32x32xf32, #tpu.memory_space<vmem>>, vector<1x16xf32>,
      %get3A_1005 = vector.shape_cast %get3A_1004 : vector<1x16xf32> to vector<16xf32>
      %add3A_1006 = arith.addf %add3A_994, %get3A_1005 : vector<16xf32>
      %get3A_1007 = arith.constant 28 : i32
      %get3A_1008 = arith.index_cast %get3A_1007 : i32 to index
      %get3A_1009 = arith.constant 0 : index
      %get3A_1010 = tpu.vector_load %arg22[%get3A_1008, %get3A_1009] {strides = array<i32>} : memref<32x32xf32, #tpu.memory_space<vmem>>, vector<1x16xf32>,
      %get3A_1011 = vector.shape_cast %get3A_1010 : vector<1x16xf32> to vector<16xf32>
      %add3A_1012 = arith.addf %add3A_1000, %get3A_1011 : vector<16xf32>
      %get3A_1013 = arith.constant 28 : i32
      %get3A_1014 = arith.index_cast %get3A_1013 : i32 to index
      %get3A_1015 = arith.constant 16 : index
      %get3A_1016 = tpu.vector_load %arg22[%get3A_1014, %get3A_1015] {strides = array<i32>} : memref<32x32xf32, #tpu.memory_space<vmem>>, vector<1x16xf32>,
      %get3A_1017 = vector.shape_cast %get3A_1016 : vector<1x16xf32> to vector<16xf32>
      %add3A_1018 = arith.addf %add3A_1006, %get3A_1017 : vector<16xf32>
      %get3A_1019 = arith.constant 29 : i32
      %get3A_1020 = arith.index_cast %get3A_1019 : i32 to index
      %get3A_1021 = arith.constant 0 : index
      %get3A_1022 = tpu.vector_load %arg22[%get3A_1020, %get3A_1021] {strides = array<i32>} : memref<32x32xf32, #tpu.memory_space<vmem>>, vector<1x16xf32>,
      %get3A_1023 = vector.shape_cast %get3A_1022 : vector<1x16xf32> to vector<16xf32>
      %add3A_1024 = arith.addf %add3A_1012, %get3A_1023 : vector<16xf32>
      %get3A_1025 = arith.constant 29 : i32
      %get3A_1026 = arith.index_cast %get3A_1025 : i32 to index
      %get3A_1027 = arith.constant 16 : index
      %get3A_1028 = tpu.vector_load %arg22[%get3A_1026, %get3A_1027] {strides = array<i32>} : memref<32x32xf32, #tpu.memory_space<vmem>>, vector<1x16xf32>,
      %get3A_1029 = vector.shape_cast %get3A_1028 : vector<1x16xf32> to vector<16xf32>
      %add3A_1030 = arith.addf %add3A_1018, %get3A_1029 : vector<16xf32>
      %get3A_1031 = arith.constant 30 : i32
      %get3A_1032 = arith.index_cast %get3A_1031 : i32 to index
      %get3A_1033 = arith.constant 0 : index
      %get3A_1034 = tpu.vector_load %arg22[%get3A_1032, %get3A_1033] {strides = array<i32>} : memref<32x32xf32, #tpu.memory_space<vmem>>, vector<1x16xf32>,
      %get3A_1035 = vector.shape_cast %get3A_1034 : vector<1x16xf32> to vector<16xf32>
      %add3A_1036 = arith.addf %add3A_1024, %get3A_1035 : vector<16xf32>
      %get3A_1037 = arith.constant 30 : i32
      %get3A_1038 = arith.index_cast %get3A_1037 : i32 to index
      %get3A_1039 = arith.constant 16 : index
      %get3A_1040 = tpu.vector_load %arg22[%get3A_1038, %get3A_1039] {strides = array<i32>} : memref<32x32xf32, #tpu.memory_space<vmem>>, vector<1x16xf32>,
      %get3A_1041 = vector.shape_cast %get3A_1040 : vector<1x16xf32> to vector<16xf32>
      %add3A_1042 = arith.addf %add3A_1030, %get3A_1041 : vector<16xf32>
      %get3A_1043 = arith.constant 31 : i32
      %get3A_1044 = arith.index_cast %get3A_1043 : i32 to index
      %get3A_1045 = arith.constant 0 : index
      %get3A_1046 = tpu.vector_load %arg22[%get3A_1044, %get3A_1045] {strides = array<i32>} : memref<32x32xf32, #tpu.memory_space<vmem>>, vector<1x16xf32>,
      %get3A_1047 = vector.shape_cast %get3A_1046 : vector<1x16xf32> to vector<16xf32>
      %add3A_1048 = arith.addf %add3A_1036, %get3A_1047 : vector<16xf32>
      %get3A_1049 = arith.constant 31 : i32
      %get3A_1050 = arith.index_cast %get3A_1049 : i32 to index
      %get3A_1051 = arith.constant 16 : index
      %get3A_1052 = tpu.vector_load %arg22[%get3A_1050, %get3A_1051] {strides = array<i32>} : memref<32x32xf32, #tpu.memory_space<vmem>>, vector<1x16xf32>,
      %get3A_1053 = vector.shape_cast %get3A_1052 : vector<1x16xf32> to vector<16xf32>
      %add3A_1054 = arith.addf %add3A_1042, %get3A_1053 : vector<16xf32>
      %slice3A = vector.extract_strided_slice %add3A_1048 {offsets = [0], sizes = [1], strides = [1]} : vector<16xf32> to vector<1xf32>
      %squeeze3A = vector.extract %slice3A[0] : f32 from vector<1xf32>
      %slice3A_1055 = vector.extract_strided_slice %add3A_1054 {offsets = [0], sizes = [1], strides = [1]} : vector<16xf32> to vector<1xf32>
      %squeeze3A_1056 = vector.extract %slice3A_1055[0] : f32 from vector<1xf32>
      %slice3A_1057 = vector.extract_strided_slice %add3A_1048 {offsets = [1], sizes = [1], strides = [1]} : vector<16xf32> to vector<1xf32>
      %squeeze3A_1058 = vector.extract %slice3A_1057[0] : f32 from vector<1xf32>
      %add3A_1059 = arith.addf %squeeze3A, %squeeze3A_1058 : f32
      %slice3A_1060 = vector.extract_strided_slice %add3A_1054 {offsets = [1], sizes = [1], strides = [1]} : vector<16xf32> to vector<1xf32>
      %squeeze3A_1061 = vector.extract %slice3A_1060[0] : f32 from vector<1xf32>
      %add3A_1062 = arith.addf %squeeze3A_1056, %squeeze3A_1061 : f32
      %slice3A_1063 = vector.extract_strided_slice %add3A_1048 {offsets = [2], sizes = [1], strides = [1]} : vector<16xf32> to vector<1xf32>
      %squeeze3A_1064 = vector.extract %slice3A_1063[0] : f32 from vector<1xf32>
      %add3A_1065 = arith.addf %add3A_1059, %squeeze3A_1064 : f32
      %slice3A_1066 = vector.extract_strided_slice %add3A_1054 {offsets = [2], sizes = [1], strides = [1]} : vector<16xf32> to vector<1xf32>
      %squeeze3A_1067 = vector.extract %slice3A_1066[0] : f32 from vector<1xf32>
      %add3A_1068 = arith.addf %add3A_1062, %squeeze3A_1067 : f32
      %slice3A_1069 = vector.extract_strided_slice %add3A_1048 {offsets = [3], sizes = [1], strides = [1]} : vector<16xf32> to vector<1xf32>
      %squeeze3A_1070 = vector.extract %slice3A_1069[0] : f32 from vector<1xf32>
      %add3A_1071 = arith.addf %add3A_1065, %squeeze3A_1070 : f32
      %slice3A_1072 = vector.extract_strided_slice %add3A_1054 {offsets = [3], sizes = [1], strides = [1]} : vector<16xf32> to vector<1xf32>
      %squeeze3A_1073 = vector.extract %slice3A_1072[0] : f32 from vector<1xf32>
      %add3A_1074 = arith.addf %add3A_1068, %squeeze3A_1073 : f32
      %slice3A_1075 = vector.extract_strided_slice %add3A_1048 {offsets = [4], sizes = [1], strides = [1]} : vector<16xf32> to vector<1xf32>
      %squeeze3A_1076 = vector.extract %slice3A_1075[0] : f32 from vector<1xf32>
      %add3A_1077 = arith.addf %add3A_1071, %squeeze3A_1076 : f32
      %slice3A_1078 = vector.extract_strided_slice %add3A_1054 {offsets = [4], sizes = [1], strides = [1]} : vector<16xf32> to vector<1xf32>
      %squeeze3A_1079 = vector.extract %slice3A_1078[0] : f32 from vector<1xf32>
      %add3A_1080 = arith.addf %add3A_1074, %squeeze3A_1079 : f32
      %slice3A_1081 = vector.extract_strided_slice %add3A_1048 {offsets = [5], sizes = [1], strides = [1]} : vector<16xf32> to vector<1xf32>
      %squeeze3A_1082 = vector.extract %slice3A_1081[0] : f32 from vector<1xf32>
      %add3A_1083 = arith.addf %add3A_1077, %squeeze3A_1082 : f32
      %slice3A_1084 = vector.extract_strided_slice %add3A_1054 {offsets = [5], sizes = [1], strides = [1]} : vector<16xf32> to vector<1xf32>
      %squeeze3A_1085 = vector.extract %slice3A_1084[0] : f32 from vector<1xf32>
      %add3A_1086 = arith.addf %add3A_1080, %squeeze3A_1085 : f32
      %slice3A_1087 = vector.extract_strided_slice %add3A_1048 {offsets = [6], sizes = [1], strides = [1]} : vector<16xf32> to vector<1xf32>
      %squeeze3A_1088 = vector.extract %slice3A_1087[0] : f32 from vector<1xf32>
      %add3A_1089 = arith.addf %add3A_1083, %squeeze3A_1088 : f32
      %slice3A_1090 = vector.extract_strided_slice %add3A_1054 {offsets = [6], sizes = [1], strides = [1]} : vector<16xf32> to vector<1xf32>
      %squeeze3A_1091 = vector.extract %slice3A_1090[0] : f32 from vector<1xf32>
      %add3A_1092 = arith.addf %add3A_1086, %squeeze3A_1091 : f32
      %slice3A_1093 = vector.extract_strided_slice %add3A_1048 {offsets = [7], sizes = [1], strides = [1]} : vector<16xf32> to vector<1xf32>
      %squeeze3A_1094 = vector.extract %slice3A_1093[0] : f32 from vector<1xf32>
      %add3A_1095 = arith.addf %add3A_1089, %squeeze3A_1094 : f32
      %slice3A_1096 = vector.extract_strided_slice %add3A_1054 {offsets = [7], sizes = [1], strides = [1]} : vector<16xf32> to vector<1xf32>
      %squeeze3A_1097 = vector.extract %slice3A_1096[0] : f32 from vector<1xf32>
      %add3A_1098 = arith.addf %add3A_1092, %squeeze3A_1097 : f32
      %slice3A_1099 = vector.extract_strided_slice %add3A_1048 {offsets = [8], sizes = [1], strides = [1]} : vector<16xf32> to vector<1xf32>
      %squeeze3A_1100 = vector.extract %slice3A_1099[0] : f32 from vector<1xf32>
      %add3A_1101 = arith.addf %add3A_1095, %squeeze3A_1100 : f32
      %slice3A_1102 = vector.extract_strided_slice %add3A_1054 {offsets = [8], sizes = [1], strides = [1]} : vector<16xf32> to vector<1xf32>
      %squeeze3A_1103 = vector.extract %slice3A_1102[0] : f32 from vector<1xf32>
      %add3A_1104 = arith.addf %add3A_1098, %squeeze3A_1103 : f32
      %slice3A_1105 = vector.extract_strided_slice %add3A_1048 {offsets = [9], sizes = [1], strides = [1]} : vector<16xf32> to vector<1xf32>
      %squeeze3A_1106 = vector.extract %slice3A_1105[0] : f32 from vector<1xf32>
      %add3A_1107 = arith.addf %add3A_1101, %squeeze3A_1106 : f32
      %slice3A_1108 = vector.extract_strided_slice %add3A_1054 {offsets = [9], sizes = [1], strides = [1]} : vector<16xf32> to vector<1xf32>
      %squeeze3A_1109 = vector.extract %slice3A_1108[0] : f32 from vector<1xf32>
      %add3A_1110 = arith.addf %add3A_1104, %squeeze3A_1109 : f32
      %slice3A_1111 = vector.extract_strided_slice %add3A_1048 {offsets = [10], sizes = [1], strides = [1]} : vector<16xf32> to vector<1xf32>
      %squeeze3A_1112 = vector.extract %slice3A_1111[0] : f32 from vector<1xf32>
      %add3A_1113 = arith.addf %add3A_1107, %squeeze3A_1112 : f32
      %slice3A_1114 = vector.extract_strided_slice %add3A_1054 {offsets = [10], sizes = [1], strides = [1]} : vector<16xf32> to vector<1xf32>
      %squeeze3A_1115 = vector.extract %slice3A_1114[0] : f32 from vector<1xf32>
      %add3A_1116 = arith.addf %add3A_1110, %squeeze3A_1115 : f32
      %slice3A_1117 = vector.extract_strided_slice %add3A_1048 {offsets = [11], sizes = [1], strides = [1]} : vector<16xf32> to vector<1xf32>
      %squeeze3A_1118 = vector.extract %slice3A_1117[0] : f32 from vector<1xf32>
      %add3A_1119 = arith.addf %add3A_1113, %squeeze3A_1118 : f32
      %slice3A_1120 = vector.extract_strided_slice %add3A_1054 {offsets = [11], sizes = [1], strides = [1]} : vector<16xf32> to vector<1xf32>
      %squeeze3A_1121 = vector.extract %slice3A_1120[0] : f32 from vector<1xf32>
      %add3A_1122 = arith.addf %add3A_1116, %squeeze3A_1121 : f32
      %slice3A_1123 = vector.extract_strided_slice %add3A_1048 {offsets = [12], sizes = [1], strides = [1]} : vector<16xf32> to vector<1xf32>
      %squeeze3A_1124 = vector.extract %slice3A_1123[0] : f32 from vector<1xf32>
      %add3A_1125 = arith.addf %add3A_1119, %squeeze3A_1124 : f32
      %slice3A_1126 = vector.extract_strided_slice %add3A_1054 {offsets = [12], sizes = [1], strides = [1]} : vector<16xf32> to vector<1xf32>
      %squeeze3A_1127 = vector.extract %slice3A_1126[0] : f32 from vector<1xf32>
      %add3A_1128 = arith.addf %add3A_1122, %squeeze3A_1127 : f32
      %slice3A_1129 = vector.extract_strided_slice %add3A_1048 {offsets = [13], sizes = [1], strides = [1]} : vector<16xf32> to vector<1xf32>
      %squeeze3A_1130 = vector.extract %slice3A_1129[0] : f32 from vector<1xf32>
      %add3A_1131 = arith.addf %add3A_1125, %squeeze3A_1130 : f32
      %slice3A_1132 = vector.extract_strided_slice %add3A_1054 {offsets = [13], sizes = [1], strides = [1]} : vector<16xf32> to vector<1xf32>
      %squeeze3A_1133 = vector.extract %slice3A_1132[0] : f32 from vector<1xf32>
      %add3A_1134 = arith.addf %add3A_1128, %squeeze3A_1133 : f32
      %slice3A_1135 = vector.extract_strided_slice %add3A_1048 {offsets = [14], sizes = [1], strides = [1]} : vector<16xf32> to vector<1xf32>
      %squeeze3A_1136 = vector.extract %slice3A_1135[0] : f32 from vector<1xf32>
      %add3A_1137 = arith.addf %add3A_1131, %squeeze3A_1136 : f32
      %slice3A_1138 = vector.extract_strided_slice %add3A_1054 {offsets = [14], sizes = [1], strides = [1]} : vector<16xf32> to vector<1xf32>
      %squeeze3A_1139 = vector.extract %slice3A_1138[0] : f32 from vector<1xf32>
      %add3A_1140 = arith.addf %add3A_1134, %squeeze3A_1139 : f32
      %slice3A_1141 = vector.extract_strided_slice %add3A_1048 {offsets = [15], sizes = [1], strides = [1]} : vector<16xf32> to vector<1xf32>
      %squeeze3A_1142 = vector.extract %slice3A_1141[0] : f32 from vector<1xf32>
      %add3A_1143 = arith.addf %add3A_1137, %squeeze3A_1142 : f32
      %slice3A_1144 = vector.extract_strided_slice %add3A_1054 {offsets = [15], sizes = [1], strides = [1]} : vector<16xf32> to vector<1xf32>
      %squeeze3A_1145 = vector.extract %slice3A_1144[0] : f32 from vector<1xf32>
      %add3A_1146 = arith.addf %add3A_1140, %squeeze3A_1145 : f32
      %broadcast_in_dim3A_1147 = vector.broadcast %add3A_1143 : f32 to vector<16xf32>
      %broadcast_in_dim3A_1148 = vector.broadcast %add3A_1146 : f32 to vector<16xf32>
      %mul3A_1149 = arith.constant 2.000000e+00 : f32
      %mul3A_1150 = vector.broadcast %mul3A_1149 : f32 to vector<16xf32>
      %mul3A_1151 = arith.mulf %mul3A_1150, %broadcast_in_dim3A_1148 : vector<16xf32>
      %add3A_1152 = arith.constant 9.99999974E-5 : f32
      %add3A_1153 = vector.broadcast %add3A_1152 : f32 to vector<16xf32>
      %add3A_1154 = arith.addf %mul3A_1151, %add3A_1153 : vector<16xf32>
      %div3A = arith.divf %broadcast_in_dim3A_1147, %add3A_1154 : vector<16xf32>
      %swap3A_1155 = arith.constant 0 : index
      %swap3A_1156 = tpu.vector_load %arg25[%swap3A_1155] {strides = array<i32>} : memref<16xf32, #tpu.memory_space<vmem>>, vector<16xf32>,
      %swap3A_1157 = vector.shape_cast %swap3A_1156 : vector<16xf32> to vector<16xf32>
      %swap3A_1158 = vector.shape_cast %div3A : vector<16xf32> to vector<16xf32>
      tpu.vector_store %arg25[%swap3A_1155], %swap3A_1158 {strides = array<i32>} : memref<16xf32, #tpu.memory_space<vmem>>, vector<16xf32>,
      "tpu.region"() ({
        %run_scoped3A = tpu.sem_alloc : memref<!tpu.dma_semaphore, #tpu.memory_space<semaphore_mem>>
        tpu.enqueue_dma source(%arg25 : memref<16xf32, #tpu.memory_space<vmem>>) target(%arg6 : memref<16xf32, #tpu.memory_space<hbm>>) target_semaphore(%run_scoped3A : memref<!tpu.dma_semaphore, #tpu.memory_space<semaphore_mem>>)
        tpu.wait_dma2 semaphore(%run_scoped3A : memref<!tpu.dma_semaphore, #tpu.memory_space<semaphore_mem>>) src(%arg25 : memref<16xf32, #tpu.memory_space<vmem>>) dst(%arg6 : memref<16xf32, #tpu.memory_space<hbm>>)
        tpu.yield
      }) : () -> ()
    } else {
    }
    return
  }
}

</mosaic_0001>

<sc_bundles>
// kernel: kernel.3.cloned.1.call-start
scs
__scs_entry_jumppad:
0x0: {  	(pc) =	sbr.rel $0x88, $3  }
0x1: {  	(tag) =	ssettag $0x0;
	lr =	simm.s32 $0x1  }
0x2: {  	[smem:$0x3F9D] =	sst lr;
	_ =	strace $0xD0000000  }
0x3: {  	_ = 	snop  }
0x4: {  	_ = 	snop  }
0x5: {  	_ = 	snop  }
0x6: {  	_ = 	snop  }
0x7: {  	_ = 	snop  }
__scs_overlays_trampoline_lowered:
0x8: {  	[smem:$0x3FAC] =	sst s0  }
0x9: {  	[smem:$0x3FAD] =	sst s1  }
0xa: {  	[smem:$0x3FAE] =	sst s2  }
0xb: {  	[smem:$0x3FAF] =	sst s3  }
0xc: {  	[smem:$0x3FB0] =	sst s4  }
0xd: {  	[smem:$0x3FB1] =	sst s5  }
0xe: {  	[smem:$0x3FB2] =	sst s6  }
0xf: {  	[smem:$0x3FB3] =	sst s7  }
0x10: {  	[smem:$0x3FB4] =	sst s8  }
0x11: {  	[smem:$0x3FB5] =	sst s9;
	s0 =	simm.s32 @!p0 $0x0  }
0x12: {  	s1 =	sld [smem:$0x3F9B];
	s0 =	simm.s32 @p0 $0x1  }
0x13: {  	[smem:$0x3FB6] =	sst s0;
	s0 =	simm.s32 @!p1 $0x0  }
0x14: {  	s2 =	sld [smem:$0x3F9A];
	s0 =	simm.s32 @p1 $0x1  }
0x15: {  	[smem:$0x3FB7] =	sst s0;
	s0 =	simm.s32 @!p2 $0x0  }
0x16: {  	s3 =	sld [smem:$0x3FDB];
	s0 =	simm.s32 @p2 $0x1  }
0x17: {  	s4 =	simm.s32 $0x1BF5;
	[smem:$0x3FB9] =	sst s0  }
0x18: {  	s0 =	sld [smem:$0x3F9C];
	_ =	swait.ge [sflag:s4], $0x0  }
0x19: {  	s7 =	sld [smem:$0x3F9D]  }
0x1a: {  	s8 =	sadd.s32 $0xFFFFE003, lr  }
0x1b: {  	s9 =	sadd.s32 $0xFFFFFEF7, lr;
	s5 =	simm.s32 $0xFFFFFFFF;
	p2 =	slt.u32 s8, $0xFFFFF086  }
0x1c: {  	p1 =	slt.u32 s9, $0xF7A;
	s5 =	simm.s32 @!p2 $0x0  }
0x1d: {  	s5 =	simm.s32 @p1 $0x1;
	p0 =	seq.s32 s7, s2  }
0x1e: {  	s7 =	smul.u32 @!p0 $0xF7A, s2;
	p2 =	seq.s32 @!p0 s5, $0x0  }
0x1f: {  	s9 =	smul.u32 $0xF7A, s1;
	s8 =	simm.s32 @!p0 $0x1BF5;
	p2 =	por !p2, p0  }
0x20: {  	[sflag:s8] =	ssyncset.s32 @!p0 $0xFFFFF086;
	s6 =	sadd.s32 @!p0 s3, s7;
	s7 =	simm.s32 @!p0 $0x108  }
0x21: {  	s3 =	sadd.s32 s3, s9;
	s6 =	sadd.s32 @!p0 $0x88, s6;
	s7 =	simm.s32 @p2 $0x1082  }
0x22: {  	[simem:s7], [sflag:s8] =	dma.local @!p0 [hbm:s6], $0xF7A  }
0x23: {  	s9 =	sor.u32 $0xD0000000, s2;
	s6 =	simm.s32 $0x108;
	_ =	swait.ge @!p0 [sflag:s8], $0x0  }
0x24: {  	s3 =	sadd.s32 $0x88, s3;
	s6 =	simm.s32 @!p1 $0x1082;
	[sflag:s4] =	ssyncset.s32 $0xFFFFF086  }
0x25: {  	[simem:s6], [sflag:s4] =	dma.local [hbm:s3], $0xF7A  }
0x26: {  	[smem:$0x3F9D] =	sst s1;
	(tag) =	ssettag s2;
	_ =	strace s9  }
0x27: {  	s1 =	sld [smem:$0x3FAD]  }
0x28: {  	s2 =	sld [smem:$0x3FAE]  }
0x29: {  	s4 =	sld [smem:$0x3FB0]  }
0x2a: {  	p0 =	seq.s32 s5, $0x0;
	s5 =	sld [smem:$0x3FB1]  }
0x2b: {  	s6 =	sld [smem:$0x3FB2]  }
0x2c: {  	s7 =	sld [smem:$0x3FB3]  }
0x2d: {  	s3 =	simm.s32 $0x108;
	s8 =	sld [smem:$0x3FB4]  }
0x2e: {  	s3 =	simm.s32 @!p0 $0x1082;
	s9 =	sld [smem:$0x3FB5]  }
0x2f: {  	lr =	sadd.s32 s0, s3;
	s0 =	sld [smem:$0x3FAC]  }
0x30: {  	s3 =	sld [smem:$0x3FAF]  }
0x31: {  	[smem:$0x3FB8] =	sst s10  }
0x32: {  	s10 =	sld [smem:$0x3FB6];
	_ =	sdelay $0x3  }
0x33: {  	p0 =	seq.s32 s10, $0x1;
	s10 =	sld [smem:$0x3FB8];
	_ =	sdelay $0x3  }
0x34: {  	[smem:$0x3FB8] =	sst s10  }
0x35: {  	s10 =	sld [smem:$0x3FB7];
	_ =	sdelay $0x3  }
0x36: {  	p1 =	seq.s32 s10, $0x1;
	s10 =	sld [smem:$0x3FB8];
	_ =	sdelay $0x3  }
0x37: {  	[smem:$0x3FB8] =	sst s10  }
0x38: {  	s10 =	sld [smem:$0x3FB9]  }
0x39: {  	_ = 	snop;
	(pc) =	sbr.ind lr, $3  }
0x3a: {  	_ = 	snop  }
0x3b: {  	_ = 	snop  }
0x3c: {  	p2 =	seq.s32 s10, $0x1;
	s10 =	sld [smem:$0x3FB8]  }
0x3d: {  	_ =	shalt  }
0x3e: {  	_ =	shalt  }
0x3f: {  	_ =	shalt  }
0x40: {  	_ =	shalt  }
0x41: {  	_ =	shalt  }
0x42: {  	_ =	shalt  }
0x43: {  	_ =	shalt  }
0x44: {  	_ =	shalt  }
0x45: {  	_ =	shalt  }
0x46: {  	_ =	shalt  }
0x47: {  	_ =	shalt  }
0x48: {  	_ =	shalt  }
0x49: {  	_ =	shalt  }
0x4a: {  	_ =	shalt  }
0x4b: {  	_ =	shalt  }
0x4c: {  	_ =	shalt  }
0x4d: {  	_ =	shalt  }
0x4e: {  	_ =	shalt  }
0x4f: {  	_ =	shalt  }
0x50: {  	_ =	shalt  }
0x51: {  	_ =	shalt  }
0x52: {  	_ =	shalt  }
0x53: {  	_ =	shalt  }
0x54: {  	_ =	shalt  }
0x55: {  	_ =	shalt  }
0x56: {  	_ =	shalt  }
0x57: {  	_ =	shalt  }
0x58: {  	_ =	shalt  }
0x59: {  	_ =	shalt  }
0x5a: {  	_ =	shalt  }
0x5b: {  	_ =	shalt  }
0x5c: {  	_ =	shalt  }
0x5d: {  	_ =	shalt  }
0x5e: {  	_ =	shalt  }
0x5f: {  	_ =	shalt  }
0x60: {  	_ =	shalt  }
0x61: {  	_ =	shalt  }
0x62: {  	_ =	shalt  }
0x63: {  	_ =	shalt  }
0x64: {  	_ =	shalt  }
0x65: {  	_ =	shalt  }
0x66: {  	_ =	shalt  }
0x67: {  	_ =	shalt  }
0x68: {  	_ =	shalt  }
0x69: {  	_ =	shalt  }
0x6a: {  	_ =	shalt  }
0x6b: {  	_ =	shalt  }
0x6c: {  	_ =	shalt  }
0x6d: {  	_ =	shalt  }
0x6e: {  	_ =	shalt  }
0x6f: {  	_ =	shalt  }
0x70: {  	_ =	shalt  }
0x71: {  	_ =	shalt  }
0x72: {  	_ =	shalt  }
0x73: {  	_ =	shalt  }
0x74: {  	_ =	shalt  }
0x75: {  	_ =	shalt  }
0x76: {  	_ =	shalt  }
0x77: {  	_ =	shalt  }
0x78: {  	_ =	shalt  }
0x79: {  	_ =	shalt  }
0x7a: {  	_ =	shalt  }
0x7b: {  	_ =	shalt  }
0x7c: {  	_ =	shalt  }
0x7d: {  	_ =	shalt  }
0x7e: {  	_ =	shalt  }
0x7f: {  	_ =	shalt  }
0x80: {  	_ =	shalt  }
0x81: {  	_ =	shalt  }
0x82: {  	_ =	shalt  }
0x83: {  	_ =	shalt  }
0x84: {  	_ =	shalt  }
0x85: {  	_ =	shalt  }
0x86: {  	_ =	shalt  }
0x87: {  	_ =	shalt  }
.Lfunc_end0:
.L_simem_size_0:
called_computation_lowered:
.L_overlay_start_0:
0x88: {  	s0 =	sld [smem:$0x3FD9]  }
0x89: {  	s1 =	sld [smem:$0x3FFE];
	_ =	sdelay $0x3  }
0x8a: {  	s0 =	sadd.s32 s1, s0  }
0x8b: {  	[smem:$0x3FC4] =	sst s0  }
0x8c: {  	_ = 	snop  }
0x8d: {  	s0 =	sld [smem:$0x3FC9]  }
0x8e: {  	s16 =	sld [smem:$0x3FC8]  }
0x8f: {  	s2 =	sld [smem:$0x3FC7]  }
0x90: {  	s3 =	sld [smem:$0x3FD0];
	(tm) =	ssettm $0x1  }
0x91: {  	s4 =	sld [smem:$0x3FFB];
	_ =	sdelay $0x3  }
0x92: {  	_ =	strace s4  }
0x93: {  	s4 =	sld [smem:$0x3FFC];
	_ =	sdelay $0x3  }
0x94: {  	_ =	strace s4  }
0x95: {  	s4 =	sld [smem:$0x3FFD];
	_ =	sdelay $0x3  }
0x96: {  	_ =	strace s4  }
0x97: {  	_ =	strace $0x8FFFFFFF  }
0x98: {  	s17 =	sld [smem:$0x3FDB];
	_ =	sdelay $0x1  }
0x99: {  	s5 =	simm.s32 $_scs_section_size  }
0x9a: {  	s6 =	simm.s32 $_size__tile_overlayer_lowered;
	s7 =	simm.s32 $_tile_overlayer_lowered  }
0x9b: {  	s20 =	simm.s32 $0x1BFF;
	s19 =	sshll.u32 s7, $0x1;
	s4 =	sadd.s32 s5, s17  }
0x9c: {  	s8 =	simm.s32 $0x0;
	s18 =	sshll.u32 s6, $0x1;
	s6 =	sadd.s32 s19, s4  }
0x9d: {  	[timem:s8], [sflag:s20] =	dma.local [hbm:s6], s18  }
0x9e: {  	_ =	swait.ge [sflag:s20], s18  }
0x9f: {  	s5 =	ssub.s32 $0x0, s18;
	[sflag:s20] =	ssyncset.done $0x0  }
0xa0: {  	[sflag:s20] =	ssyncadd.s32 s5;
	_ =	sdelay $0x1  }
0xa1: {  	s21 =	simm.s32 $0x1B8B  }
0xa2: {  	_ =	swait.ge [sflag:s21], $0x1  }
0xa3: {  	[sflag:s21] =	ssyncset.done $0x0  }
0xa4: {  	s23 =	simm.s32 $0x1B8E;
	s22 =	sld [smem:$0x3FFE];
	[sflag:s21] =	ssyncadd.s32 $0xFFFFFFFF  }
0xa5: {  	s24 =	simm.s32 $execute0_lowered;
	[smem:$0x3FD2] =	sst s23  }
0xa6: {  	s6 =	sshll.u32 s24, $0x1;
	_ =	strace $0x80000046;
	[dreg:$0x1] =	wrdreg $0xFFFFFFFF  }
0xa7: {  	s25 =	simm.s32 $_size_execute0_lowered;
	s4 =	sadd.s32 s4, s6;
	[dreg:$0x0] =	wrdreg $0x0  }
0xa8: {  	s6 =	sshll.u32 s25, $0x1;
	[dreg:$0x2] =	wrdreg s4  }
0xa9: {  	[dreg:$0x3] =	wrdreg s6  }
0xaa: {  	[dreg:$0x4] =	wrdreg $0xC0  }
0xab: {  	_ =	task [dreg:s8], $0x5FFFF  }
0xac: {  	[dreg:$0x1] =	wrdreg $0xFFFFFFFF  }
0xad: {  	[dreg:$0x0] =	wrdreg $0x60  }
0xae: {  	[dreg:$0x2] =	wrdreg s0  }
0xaf: {  	[dreg:$0x3] =	wrdreg s2  }
0xb0: {  	[dreg:$0x4] =	wrdreg s16  }
0xb1: {  	[dreg:$0x5] =	wrdreg s22  }
0xb2: {  	[dreg:$0x6] =	wrdreg s3  }
0xb3: {  	[dreg:$0x7] =	wrdreg $0x9  }
0xb4: {  	_ =	task.clear_ibuf [dreg:s8], $0x8FFFF;
	_ =	strace $0x90000046  }
0xb5: {  	s26 =	simm.s32 $0x9;
	_ =	strace $0x80000048  }
0xb6: {  	_ =	swait.ge [sflag:s26], $0x1  }
0xb7: {  	[sflag:s26] =	ssyncadd.s32 $0xFFFFFFFF  }
0xb8: {  	_ =	strace $0x90000048  }
0xb9: {  	_ =	sfence  }
0xba: {  	s28 =	sld [smem:$0x0];
	_ =	sdelay $0x1  }
0xbb: {  	s29 =	srdreg.scid  }
0xbc: {  	s30 =	sshll.u32 s29, $0xD;
	s31 =	sshrl.u32 s29, $0x2  }
0xbd: {  	s1 =	sand.u32 $0x1, s29;
	s2 =	sand.u32 $0x4000, s30;
	s0 =	sadd.s32 s31, s28  }
0xbe: {  	s1 =	sor.u32 s2, s1;
	s0 =	sshll.u32 s0, $0x11  }
0xbf: {  	s0 =	sor.u32 s0, s1  }
0xc0: {  	s0 =	sadd.s32 $0x8F2B, s0  }
0xc1: {  	[sflag:s0] =	ssyncadd.remote.s32 $0x1  }
0xc2: {  	_ =	sfence.sel $0xFFFF  }
0xc3: {  	[dreg:$0x0] =	wrdreg $0xFFFFFFFF;
	(pc) =	sbr.abs _section_cstart, $3  }
0xc4: {  	[dreg:$0x1] =	wrdreg $0xFFFFFFFF  }
0xc5: {  	_ =	task.clear_ibuf [dreg:s8], $0x2FFFF;
	_ =	strace $0x9FFFFFFF  }
0xc6: {  	(tm) =	ssettm $0x7FFFFFFF  }
0xc7: {  	_ =	shalt  }
tec
execute0_lowered:
.L_overlay_start_1:
0x0: {  	(tag) =	ssettag $0x1  }
0x1: {  	s5 =	rddreg [dreg:$0x0]  }
0x2: {  	s6 =	rddreg [dreg:$0x1]  }
0x3: {  	s8 =	rddreg [dreg:$0x2]  }
0x4: {  	s4 =	rddreg [dreg:$0x3]  }
0x5: {  	s1 =	rddreg [dreg:$0x4]  }
0x6: {  	s0 =	rddreg [dreg:$0x5];
	s2 =	simm.s32 $0x0;
	s3 =	stileid.u32  }
0x7: {  	[smem:$0x7FF] =	sst s2;
	s7 =	sshllo.u32 s3, $0x1;
	s9 =	sshll.u32 s3, $0x5  }
0x8: {  	_ =	strace $0x80000047;
	s10 =	sadd.s32 s6, s9;
	s11 =	sshll.u32 s7, $0x4  }
0x9: {  	[tilespmem:s2], [sflag:$0x1] =	stream.linear.gather [hbm4b:s10+s2], $0x80, $0x38;
	[tilespmem:$0x1880] =	vst v63  }
0xa: {  	s23 =	sadd.s32 s6, s11;
	s6 =	simm.s32 $0x80  }
0xb: {  	[tilespmem:s6], [sflag:$0x2] =	stream.linear.gather [hbm4b:s23+s2], $0x80, $0x38;
	[tilespmem:$0x1880] =	vst v63  }
0xc: {  	s24 =	simm.s32 $0x100;
	s9 =	sadd.s32 s8, s9  }
0xd: {  	v0 =	vlaneseq.u32;
	[tilespmem:s24], [sflag:$0x3] =	stream.linear.gather [hbm4b:s9+s2], $0x80, $0x38;
	[tilespmem:$0x1880] =	vst v63  }
0xe: {  	s25 =	simm.s32 $0x180;
	v0 =	vmul.u32 $0x2, v0;
	s8 =	sadd.s32 s8, s11  }
0xf: {  	[tilespmem:s25], [sflag:$0x4] =	stream.linear.gather [hbm4b:s8+s2], $0x80, $0x38;
	[tilespmem:$0x1880] =	vst v63  }
0x10: {  	v1 =	vor.u32 $0x1, v0;
	[tilespmem:$0x200] =	vst v0  }
0x11: {  	v40 =	vor.u32 $0x20, v0;
	[tilespmem:$0x280] =	vst v1  }
0x12: {  	v41 =	vor.u32 $0x21, v0;
	[tilespmem:$0x210] =	vst v40  }
0x13: {  	v42 =	vor.u32 $0x40, v0;
	[tilespmem:$0x290] =	vst v41  }
0x14: {  	v43 =	vor.u32 $0x41, v0;
	[tilespmem:$0x220] =	vst v42  }
0x15: {  	v44 =	vor.u32 $0x60, v0;
	[tilespmem:$0x2A0] =	vst v43  }
0x16: {  	v45 =	vor.u32 $0x61, v0;
	[tilespmem:$0x230] =	vst v44  }
0x17: {  	v46 =	vor.u32 $0x80, v0;
	[tilespmem:$0x2B0] =	vst v45  }
0x18: {  	v47 =	vor.u32 $0x81, v0;
	[tilespmem:$0x240] =	vst v46  }
0x19: {  	v48 =	vor.u32 $0xA0, v0;
	[tilespmem:$0x2C0] =	vst v47  }
0x1a: {  	v49 =	vor.u32 $0xA1, v0;
	[tilespmem:$0x250] =	vst v48  }
0x1b: {  	v50 =	vor.u32 $0xC0, v0;
	[tilespmem:$0x2D0] =	vst v49  }
0x1c: {  	v51 =	vor.u32 $0xC1, v0;
	[tilespmem:$0x260] =	vst v50  }
0x1d: {  	v52 =	vor.u32 $0xE0, v0;
	[tilespmem:$0x2E0] =	vst v51  }
0x1e: {  	s26 =	sadd.s32 $0x800, s4;
	s28 =	sshll.u32 s3, $0x6;
	[tilespmem:$0x270] =	vst v52;
	v0 =	vor.u32 $0xE1, v0  }
0x1f: {  	s29 =	simm.s32 $0x200;
	s30 =	simm.s32 $0x500;
	s9 =	sadd.s32 s26, s28;
	[tilespmem:$0x2F0] =	vst v0  }
0x20: {  	[tilespmem:s30], [sflag:$0x3] =	stream.indirect.gather [hbm4b:s9+s6], $0x1, s29, s6, $0xb8;
	[tilespmem:$0x1880] =	vst v63  }
0x21: {  	s12 =	simm.s32 $0x280;
	s13 =	simm.s32 $0x580;
	s31 =	sshll.u32 s7, $0x5  }
0x22: {  	[tilespmem:s13], [sflag:$0x3] =	stream.indirect.gather [hbm4b:s9+s6], $0x1, s12, s6, $0xb8;
	[tilespmem:$0x1880] =	vst v63  }
0x23: {  	s11 =	simm.s32 $0x600;
	s8 =	sadd.s32 s26, s31  }
0x24: {  	[tilespmem:s11], [sflag:$0x4] =	stream.indirect.gather [hbm4b:s8+s6], $0x1, s29, s6, $0xb8;
	[tilespmem:$0x1880] =	vst v63  }
0x25: {  	s14 =	simm.s32 $0x1;
	s13 =	simm.s32 $0x680  }
0x26: {  	[tilespmem:s13], [sflag:$0x4] =	stream.indirect.gather [hbm4b:s8+s6], $0x1, s12, s6, $0xb8;
	[tilespmem:$0x1880] =	vst v63  }
0x27: {  	_ =	swait.ge [sflag:s14], $0x80  }
0x28: {  	s18 =	simm.s32 $0x300;
	s15 =	sshll.u32 s3, $0xD;
	[sflag:s14] =	ssyncset.done $0x0  }
0x29: {  	s17 =	sadd.s32 $0x800, s5;
	s16 =	sadd.s32 s5, s15;
	[sflag:s14] =	ssyncadd.s32 $0xFFFFFF80  }
0x2a: {  	[tilespmem:s18], [sflag:$0x3] =	stream.indirect.gather [hbm4b:s16+s6], $0x1, s2, s6, $0xb8;
	[tilespmem:$0x1880] =	vst v63  }
0x2b: {  	s20 =	simm.s32 $0x380;
	s21 =	simm.s32 $0x2;
	s19 =	sadd.s32 s15, s17  }
0x2c: {  	[tilespmem:s20], [sflag:$0x3] =	stream.indirect.gather [hbm4b:s19+s6], $0x1, s2, s6, $0xb8;
	[tilespmem:$0x1880] =	vst v63  }
0x2d: {  	_ =	swait.ge [sflag:s21], $0x80  }
0x2e: {  	s7 =	sshll.u32 s7, $0xC;
	[sflag:s21] =	ssyncset.done $0x0  }
0x2f: {  	s22 =	simm.s32 $0x400;
	s5 =	sadd.s32 s5, s7;
	[sflag:s21] =	ssyncadd.s32 $0xFFFFFF80  }
0x30: {  	[tilespmem:s22], [sflag:$0x4] =	stream.indirect.gather [hbm4b:s5+s6], $0x1, s6, s6, $0xb8;
	[tilespmem:$0x1880] =	vst v63  }
0x31: {  	s23 =	sadd.s32 s7, s17;
	s24 =	simm.s32 $0x480;
	s25 =	simm.s32 $0x3  }
0x32: {  	[tilespmem:s24], [sflag:$0x4] =	stream.indirect.gather [hbm4b:s23+s6], $0x1, s6, s6, $0xb8;
	[tilespmem:$0x1880] =	vst v63  }
0x33: {  	_ =	swait.ge [sflag:s25], $0x80  }
0x34: {  	[sflag:s25] =	ssyncset.done $0x0  }
0x35: {  	[sflag:s25] =	ssyncadd.s32 $0xFFFFFF80  }
0x36: {  	_ =	swait.ge [sflag:s25], $0x80  }
0x37: {  	[sflag:s25] =	ssyncset.done $0x0  }
0x38: {  	[sflag:s25] =	ssyncadd.s32 $0xFFFFFF80  }
0x39: {  	_ =	swait.ge [sflag:s25], $0x80  }
0x3a: {  	[sflag:s25] =	ssyncset.done $0x0  }
0x3b: {  	[sflag:s25] =	ssyncadd.s32 $0xFFFFFF80  }
0x3c: {  	_ =	swait.ge [sflag:s25], $0x80  }
0x3d: {  	[sflag:s25] =	ssyncset.done $0x0  }
0x3e: {  	[sflag:s25] =	ssyncadd.s32 $0xFFFFFF80  }
0x3f: {  	_ =	swait.ge [sflag:s25], $0x80  }
0x40: {  	[sflag:s25] =	ssyncset.done $0x0  }
0x41: {  	[sflag:s25] =	ssyncadd.s32 $0xFFFFFF80  }
0x42: {  	v53 =	vld [tilespmem:$0x100]  }
0x43: {  	v54 =	vld [tilespmem:$0x300]  }
0x44: {  	v2 =	vld [tilespmem:$0x500]  }
0x45: {  	v3 =	vld [tilespmem:$0x380]  }
0x46: {  	v4 =	vld [tilespmem:$0x580]  }
0x47: {  	v5 =	vld [tilespmem:$0x110]  }
0x48: {  	v6 =	vld [tilespmem:$0x310]  }
0x49: {  	v7 =	vld [tilespmem:$0x510]  }
0x4a: {  	v8 =	vld [tilespmem:$0x390]  }
0x4b: {  	v9 =	vld [tilespmem:$0x590]  }
0x4c: {  	v10 =	vld [tilespmem:$0x120]  }
0x4d: {  	v11 =	vld [tilespmem:$0x320]  }
0x4e: {  	v12 =	vld [tilespmem:$0x520]  }
0x4f: {  	v13 =	vld [tilespmem:$0x3A0]  }
0x50: {  	v14 =	vld [tilespmem:$0x5A0]  }
0x51: {  	v15 =	vld [tilespmem:$0x130]  }
0x52: {  	v16 =	vld [tilespmem:$0x330]  }
0x53: {  	v17 =	vld [tilespmem:$0x530]  }
0x54: {  	v18 =	vld [tilespmem:$0x3B0]  }
0x55: {  	v55 =	vld [tilespmem:$0x5B0]  }
0x56: {  	v56 =	vld [tilespmem:$0x140]  }
0x57: {  	v19 =	vld [tilespmem:$0x340]  }
0x58: {  	v58 =	vld [tilespmem:$0x540]  }
0x59: {  	v20 =	vld [tilespmem:$0x350]  }
0x5a: {  	v21 =	vld [tilespmem:$0x550]  }
0x5b: {  	v63 =	vld [tilespmem:$0x3D0]  }
0x5c: {  	v23 =	vld [tilespmem:$0x5D0]  }
0x5d: {  	v24 =	vld [tilespmem:$0x360];
	v1 =	vsub.f32 v54, v2  }
0x5e: {  	v25 =	vld [tilespmem:$0x560];
	v3 =	vsub.f32 v3, v4;
	v6 =	vsub.f32 v6, v7  }
0x5f: {  	v36 =	vld [tilespmem:$0x160];
	v57 =	vsub.f32 v8, v9;
	v0 =	vcvt.s32.f32 v53;
	v11 =	vsub.f32 v11, v12  }
0x60: {  	v38 =	vld [tilespmem:$0x170];
	v5 =	vcvt.s32.f32 v5;
	v62 =	vsub.f32 v13, v14;
	v22 =	vsub.f32 v16, v17  }
0x61: {  	v2 =	vsub.f32 v18, v55;
	v10 =	vcvt.s32.f32 v10;
	v8 =	vsub.f32 v19, v58  }
0x62: {  	v15 =	vcvt.s32.f32 v15;
	v4 =	vcvt.s32.f32 v56;
	v31 =	vsub.f32 v20, v21  }
0x63: {  	v59 =	vld [tilespmem:$0x3C0];
	v13 =	vsub.f32 v63, v23;
	v1 =	vand.u32 $0x7FFFFFFF, v1;
	v3 =	vand.u32 $0x7FFFFFFF, v3  }
0x64: {  	v60 =	vld [tilespmem:$0x5C0];
	v37 =	vsub.f32 v24, v25;
	v41 =	vcvt.s32.f32 v36;
	v1 =	vadd.f32 v3, v1  }
0x65: {  	v61 =	vld [tilespmem:$0x150];
	v44 =	vcvt.s32.f32 v38;
	v6 =	vand.u32 $0x7FFFFFFF, v6;
	v7 =	vand.u32 $0x7FFFFFFF, v57  }
0x66: {  	v29 =	vld [tilespmem:$0x370];
	v11 =	vand.u32 $0x7FFFFFFF, v11;
	v6 =	vadd.f32 v7, v6;
	v1 =	vmul.f32 v0, v1  }
0x67: {  	v30 =	vld [tilespmem:$0x570];
	v12 =	vand.u32 $0x7FFFFFFF, v62;
	v2 =	vand.u32 $0x7FFFFFFF, v2;
	v28 =	vand.u32 $0x7FFFFFFF, v8  }
0x68: {  	v26 =	vld [tilespmem:$0x3E0];
	v34 =	vand.u32 $0x7FFFFFFF, v31;
	v6 =	vmul.f32 v5, v6;
	v1 =	vadd.f32 $0.0e+00, v1  }
0x69: {  	v27 =	vld [tilespmem:$0x5E0];
	v35 =	vand.u32 $0x7FFFFFFF, v13;
	v11 =	vadd.f32 v12, v11;
	v3 =	vsub.f32 v59, v60  }
0x6a: {  	v32 =	vld [tilespmem:$0x3F0];
	v0 =	vadd.f32 v5, v0;
	v1 =	vadd.f32 v6, v1;
	v6 =	vand.u32 $0x7FFFFFFF, v22  }
0x6b: {  	v33 =	vld [tilespmem:$0x5F0];
	v40 =	vand.u32 $0x7FFFFFFF, v37;
	v11 =	vmul.f32 v10, v11;
	v2 =	vadd.f32 v2, v6  }
0x6c: {  	v3 =	vand.u32 $0x7FFFFFFF, v3;
	v5 =	vsub.f32 v29, v30;
	v0 =	vadd.f32 v10, v0  }
0x6d: {  	v3 =	vadd.f32 v3, v28;
	v1 =	vadd.f32 v11, v1;
	v2 =	vmul.f32 v15, v2  }
0x6e: {  	v7 =	vcvt.s32.f32 v61;
	v0 =	vadd.f32 v15, v0;
	v6 =	vsub.f32 v26, v27  }
0x6f: {  	v10 =	vadd.f32 v35, v34;
	v3 =	vmul.f32 v4, v3;
	v1 =	vadd.f32 v2, v1  }
0x70: {  	v0 =	vadd.f32 v4, v0;
	v6 =	vand.u32 $0x7FFFFFFF, v6;
	v2 =	vsub.f32 v32, v33  }
0x71: {  	v39 =	vmul.f32 v7, v10;
	v6 =	vadd.f32 v6, v40;
	v1 =	vadd.f32 v3, v1  }
0x72: {  	v42 =	vand.u32 $0x7FFFFFFF, v5;
	v0 =	vadd.f32 v7, v0;
	v2 =	vand.u32 $0x7FFFFFFF, v2  }
0x73: {  	v43 =	vmul.f32 v41, v6;
	v2 =	vadd.f32 v2, v42;
	v1 =	vadd.f32 v39, v1  }
0x74: {  	v0 =	vadd.f32 v41, v0  }
0x75: {  	v2 =	vmul.f32 v44, v2;
	v1 =	vadd.f32 v43, v1  }
0x76: {  	v0 =	vadd.f32 v44, v0  }
0x77: {  	v1 =	vadd.f32 v2, v1  }
0x78: {  	s26 =	sshll.u32 s3, $0x4;
	s5 =	sadd.s32 $0xC00, s4;
	[tilespmem:$0x1710] =	vst v0  }
0x79: {  	s28 =	simm.s32 $0x1700;
	s29 =	simm.s32 $0x4;
	s4 =	sadd.s32 s5, s26;
	[tilespmem:$0x1700] =	vst v1  }
0x7a: {  	[hbm4b:s4+s2] =	stream.linear.scatter [tilespmem:s28], [sflag:$0x5], $0x80, $0x38;
	[tilespmem:$0x1880] =	vst v63  }
0x7b: {  	_ =	swait.ge [sflag:s29], $0x80  }
0x7c: {  	[sflag:s29] =	ssyncset.done $0x0  }
0x7d: {  	[sflag:s29] =	ssyncadd.s32 $0xFFFFFF80  }
0x7e: {  	_ =	swait.ge [sflag:s29], $0x80  }
0x7f: {  	[sflag:s29] =	ssyncset.done $0x0  }
0x80: {  	[sflag:s29] =	ssyncadd.s32 $0xFFFFFF80  }
0x81: {  	_ =	swait.ge [sflag:s29], $0x80  }
0x82: {  	[sflag:s29] =	ssyncset.done $0x0  }
0x83: {  	[sflag:s29] =	ssyncadd.s32 $0xFFFFFF80  }
0x84: {  	_ =	swait.ge [sflag:s29], $0x80  }
0x85: {  	[sflag:s29] =	ssyncset.done $0x0  }
0x86: {  	[sflag:s29] =	ssyncadd.s32 $0xFFFFFF80  }
0x87: {  	_ =	swait.ge [sflag:s29], $0x80  }
0x88: {  	[sflag:s29] =	ssyncset.done $0x0  }
0x89: {  	[sflag:s29] =	ssyncadd.s32 $0xFFFFFF80  }
0x8a: {  	v45 =	vld [tilespmem:$0x180]  }
0x8b: {  	v46 =	vld [tilespmem:$0x400]  }
0x8c: {  	v47 =	vld [tilespmem:$0x600]  }
0x8d: {  	v48 =	vld [tilespmem:$0x480]  }
0x8e: {  	v49 =	vld [tilespmem:$0x680]  }
0x8f: {  	v50 =	vld [tilespmem:$0x190]  }
0x90: {  	v51 =	vld [tilespmem:$0x410]  }
0x91: {  	v52 =	vld [tilespmem:$0x610]  }
0x92: {  	v53 =	vld [tilespmem:$0x490]  }
0x93: {  	v54 =	vld [tilespmem:$0x690]  }
0x94: {  	v55 =	vld [tilespmem:$0x1A0]  }
0x95: {  	v56 =	vld [tilespmem:$0x420]  }
0x96: {  	v57 =	vld [tilespmem:$0x620]  }
0x97: {  	v58 =	vld [tilespmem:$0x4A0]  }
0x98: {  	v59 =	vld [tilespmem:$0x6A0]  }
0x99: {  	v60 =	vld [tilespmem:$0x1B0]  }
0x9a: {  	v61 =	vld [tilespmem:$0x430]  }
0x9b: {  	v62 =	vld [tilespmem:$0x630]  }
0x9c: {  	v63 =	vld [tilespmem:$0x4B0]  }
0x9d: {  	v24 =	vld [tilespmem:$0x6B0]  }
0x9e: {  	v25 =	vld [tilespmem:$0x1C0]  }
0x9f: {  	v26 =	vld [tilespmem:$0x440]  }
0xa0: {  	v27 =	vld [tilespmem:$0x640]  }
0xa1: {  	v31 =	vld [tilespmem:$0x1D0]  }
0xa2: {  	v35 =	vld [tilespmem:$0x4D0]  }
0xa3: {  	v36 =	vld [tilespmem:$0x6D0]  }
0xa4: {  	v39 =	vld [tilespmem:$0x460];
	v1 =	vsub.f32 v46, v47  }
0xa5: {  	v42 =	vld [tilespmem:$0x660];
	v3 =	vsub.f32 v48, v49;
	v6 =	vsub.f32 v51, v52  }
0xa6: {  	v28 =	vsub.f32 v53, v54;
	v0 =	vcvt.s32.f32 v45;
	v11 =	vsub.f32 v56, v57  }
0xa7: {  	v29 =	vld [tilespmem:$0x4C0];
	v5 =	vcvt.s32.f32 v50;
	v33 =	vsub.f32 v58, v59;
	v40 =	vsub.f32 v61, v62  }
0xa8: {  	v30 =	vld [tilespmem:$0x6C0];
	v37 =	vcvt.s32.f32 v55;
	v41 =	vsub.f32 v63, v24;
	v4 =	vsub.f32 v26, v27  }
0xa9: {  	v32 =	vld [tilespmem:$0x450];
	v46 =	vcvt.s32.f32 v60;
	v2 =	vcvt.s32.f32 v25;
	v50 =	vsub.f32 v35, v36  }
0xaa: {  	v34 =	vld [tilespmem:$0x650];
	v56 =	vsub.f32 v39, v42;
	v57 =	vcvt.s32.f32 v31;
	v1 =	vand.u32 $0x7FFFFFFF, v1  }
0xab: {  	v44 =	vld [tilespmem:$0x4E0];
	v3 =	vand.u32 $0x7FFFFFFF, v3;
	v6 =	vand.u32 $0x7FFFFFFF, v6;
	v7 =	vand.u32 $0x7FFFFFFF, v28  }
0xac: {  	v45 =	vld [tilespmem:$0x6E0];
	v11 =	vand.u32 $0x7FFFFFFF, v11;
	v12 =	vand.u32 $0x7FFFFFFF, v33;
	v1 =	vadd.f32 v3, v1  }
0xad: {  	v47 =	vld [tilespmem:$0x470];
	v16 =	vand.u32 $0x7FFFFFFF, v41;
	v4 =	vand.u32 $0x7FFFFFFF, v4;
	v53 =	vand.u32 $0x7FFFFFFF, v50  }
0xae: {  	v54 =	vld [tilespmem:$0x1E0];
	v6 =	vadd.f32 v7, v6;
	v38 =	vadd.f32 v12, v11;
	v1 =	vmul.f32 v0, v1  }
0xaf: {  	v49 =	vld [tilespmem:$0x4F0];
	v12 =	vand.u32 $0x7FFFFFFF, v40;
	v3 =	vsub.f32 v29, v30;
	v7 =	vsub.f32 v32, v34  }
0xb0: {  	v58 =	vld [tilespmem:$0x1F0];
	v12 =	vadd.f32 v16, v12;
	v6 =	vmul.f32 v5, v6;
	v1 =	vadd.f32 $0.0e+00, v1  }
0xb1: {  	v51 =	vld [tilespmem:$0x6F0];
	v0 =	vadd.f32 v5, v0;
	v43 =	vmul.f32 v37, v38;
	v3 =	vand.u32 $0x7FFFFFFF, v3  }
0xb2: {  	v48 =	vld [tilespmem:$0x670];
	v52 =	vand.u32 $0x7FFFFFFF, v7;
	v8 =	vsub.f32 v44, v45;
	v1 =	vadd.f32 v6, v1  }
0xb3: {  	v5 =	vand.u32 $0x7FFFFFFF, v56;
	v60 =	vcvt.s32.f32 v54;
	v0 =	vadd.f32 v37, v0  }
0xb4: {  	v12 =	vmul.f32 v46, v12;
	v3 =	vadd.f32 v3, v4;
	v1 =	vadd.f32 v43, v1  }
0xb5: {  	v62 =	vcvt.s32.f32 v58;
	v55 =	vadd.f32 v53, v52;
	v0 =	vadd.f32 v46, v0  }
0xb6: {  	v4 =	vsub.f32 v49, v51;
	v3 =	vmul.f32 v2, v3;
	v1 =	vadd.f32 v12, v1  }
0xb7: {  	v8 =	vand.u32 $0x7FFFFFFF, v8;
	v6 =	vsub.f32 v47, v48;
	v0 =	vadd.f32 v2, v0  }
0xb8: {  	v59 =	vadd.f32 v8, v5;
	v1 =	vadd.f32 v3, v1;
	v3 =	vmul.f32 v57, v55  }
0xb9: {  	v4 =	vand.u32 $0x7FFFFFFF, v4;
	v61 =	vand.u32 $0x7FFFFFFF, v6;
	v0 =	vadd.f32 v57, v0  }
0xba: {  	v2 =	vmul.f32 v60, v59;
	v1 =	vadd.f32 v3, v1;
	v3 =	vadd.f32 v4, v61  }
0xbb: {  	v0 =	vadd.f32 v60, v0  }
0xbc: {  	v1 =	vadd.f32 v2, v1;
	v63 =	vmul.f32 v62, v3  }
0xbd: {  	v0 =	vadd.f32 v62, v0  }
0xbe: {  	v1 =	vadd.f32 v63, v1  }
0xbf: {  	[tilespmem:$0x1790] =	vst v0  }
0xc0: {  	s30 =	simm.s32 $0x1780;
	s4 =	sadd.s32 $0x100, s4;
	[tilespmem:$0x1780] =	vst v1  }
0xc1: {  	[hbm4b:s4+s2] =	stream.linear.scatter [tilespmem:s30], [sflag:$0x6], $0x80, $0x38;
	[tilespmem:$0x1880] =	vst v63  }
0xc2: {  	s4 =	simm.s32 $0x6  }
0xc3: {  	_ =	swait.ge [sflag:s4], $0x80  }
0xc4: {  	[sflag:s4] =	ssyncset.done $0x0  }
0xc5: {  	s31 =	simm.s32 $0x5;
	[sflag:s4] =	ssyncadd.s32 $0xFFFFFF80  }
0xc6: {  	_ =	swait.ge [sflag:s31], $0x80  }
0xc7: {  	[sflag:s31] =	ssyncset.done $0x0  }
0xc8: {  	[sflag:s31] =	ssyncadd.s32 $0xFFFFFF80  }
0xc9: {  	p0 =	sne.s32 s3, $0x0;
	[bflag:$0x0] =	sbarrier.arrive $0xFFFF  }
0xca: {  	_ =	sfence.sel @p0 $0x180000  }
0xcb: {  	[bflag:$0x0] =	sbarrier.arrive @p0 $0xFFFF  }
0xcc: {  	_ =	strace @p0 $0x90000047  }
0xcd: {  	[bflag:$0x2] =	sbarrier.arrive @p0 $0xFFFF  }
0xce: {  	_ =	shalt @p0  }
.LBB2_1:
0xcf: {  	s3 =	simm.s32 $0x700  }
0xd0: {  	[tilespmem:s3], [sflag:$0x6] =	stream.linear.gather [hbm4b:s5+s2], $0x1000, $0x38;
	[tilespmem:$0x1880] =	vst v63  }
0xd1: {  	_ =	swait.ge [sflag:s4], $0x1000  }
0xd2: {  	[sflag:s4] =	ssyncset.done $0x0  }
0xd3: {  	[sflag:s4] =	ssyncadd.s32 $0xFFFFF000  }
0xd4: {  	v0 =	vld [tilespmem:$0x700]  }
0xd5: {  	v1 =	vld [tilespmem:$0x710]  }
0xd6: {  	v2 =	vld [tilespmem:$0x780]  }
0xd7: {  	v3 =	vld [tilespmem:$0x790]  }
0xd8: {  	v4 =	vld [tilespmem:$0x800]  }
0xd9: {  	v5 =	vld [tilespmem:$0x810];
	v0 =	vadd.f32 $0.0e+00, v0  }
0xda: {  	v6 =	vld [tilespmem:$0x880];
	v1 =	vadd.f32 $0.0e+00, v1  }
0xdb: {  	v61 =	vld [tilespmem:$0x890];
	v0 =	vadd.f32 v2, v0  }
0xdc: {  	v62 =	vld [tilespmem:$0x900];
	v1 =	vadd.f32 v3, v1  }
0xdd: {  	v63 =	vld [tilespmem:$0x910];
	v0 =	vadd.f32 v4, v0  }
0xde: {  	v9 =	vld [tilespmem:$0x980];
	v1 =	vadd.f32 v5, v1  }
0xdf: {  	v10 =	vld [tilespmem:$0x990];
	v0 =	vadd.f32 v6, v0  }
0xe0: {  	v11 =	vld [tilespmem:$0xA00];
	v1 =	vadd.f32 v61, v1  }
0xe1: {  	v12 =	vld [tilespmem:$0xA10];
	v0 =	vadd.f32 v62, v0  }
0xe2: {  	v13 =	vld [tilespmem:$0xA80];
	v1 =	vadd.f32 v63, v1  }
0xe3: {  	v14 =	vld [tilespmem:$0xA90];
	v0 =	vadd.f32 v9, v0  }
0xe4: {  	v15 =	vld [tilespmem:$0xB00];
	v1 =	vadd.f32 v10, v1  }
0xe5: {  	v16 =	vld [tilespmem:$0xB10];
	v0 =	vadd.f32 v11, v0  }
0xe6: {  	v17 =	vld [tilespmem:$0xB80];
	v1 =	vadd.f32 v12, v1  }
0xe7: {  	v18 =	vld [tilespmem:$0xB90];
	v0 =	vadd.f32 v13, v0  }
0xe8: {  	v19 =	vld [tilespmem:$0xC00];
	v1 =	vadd.f32 v14, v1  }
0xe9: {  	v20 =	vld [tilespmem:$0xC10];
	v0 =	vadd.f32 v15, v0  }
0xea: {  	v21 =	vld [tilespmem:$0xC80];
	v1 =	vadd.f32 v16, v1  }
0xeb: {  	v22 =	vld [tilespmem:$0xC90];
	v0 =	vadd.f32 v17, v0  }
0xec: {  	v23 =	vld [tilespmem:$0xD00];
	v1 =	vadd.f32 v18, v1  }
0xed: {  	v24 =	vld [tilespmem:$0xD10];
	v0 =	vadd.f32 v19, v0  }
0xee: {  	v25 =	vld [tilespmem:$0xD80];
	v1 =	vadd.f32 v20, v1  }
0xef: {  	v26 =	vld [tilespmem:$0xD90];
	v0 =	vadd.f32 v21, v0  }
0xf0: {  	v27 =	vld [tilespmem:$0xE00];
	v1 =	vadd.f32 v22, v1  }
0xf1: {  	v28 =	vld [tilespmem:$0xE10];
	v0 =	vadd.f32 v23, v0  }
0xf2: {  	v29 =	vld [tilespmem:$0xE80];
	v1 =	vadd.f32 v24, v1  }
0xf3: {  	v30 =	vld [tilespmem:$0xE90];
	v0 =	vadd.f32 v25, v0  }
0xf4: {  	v31 =	vld [tilespmem:$0xF00];
	v1 =	vadd.f32 v26, v1  }
0xf5: {  	v32 =	vld [tilespmem:$0xF10];
	v0 =	vadd.f32 v27, v0  }
0xf6: {  	v33 =	vld [tilespmem:$0xF80];
	v1 =	vadd.f32 v28, v1  }
0xf7: {  	v34 =	vld [tilespmem:$0xF90];
	v0 =	vadd.f32 v29, v0  }
0xf8: {  	v35 =	vld [tilespmem:$0x1000];
	v1 =	vadd.f32 v30, v1  }
0xf9: {  	v36 =	vld [tilespmem:$0x1010];
	v0 =	vadd.f32 v31, v0  }
0xfa: {  	v37 =	vld [tilespmem:$0x1080];
	v1 =	vadd.f32 v32, v1  }
0xfb: {  	v38 =	vld [tilespmem:$0x1090];
	v0 =	vadd.f32 v33, v0  }
0xfc: {  	v39 =	vld [tilespmem:$0x1100];
	v1 =	vadd.f32 v34, v1  }
0xfd: {  	v40 =	vld [tilespmem:$0x1110];
	v0 =	vadd.f32 v35, v0  }
0xfe: {  	v41 =	vld [tilespmem:$0x1180];
	v1 =	vadd.f32 v36, v1  }
0xff: {  	v42 =	vld [tilespmem:$0x1190];
	v0 =	vadd.f32 v37, v0  }
0x100: {  	v43 =	vld [tilespmem:$0x1200];
	v1 =	vadd.f32 v38, v1  }
0x101: {  	v44 =	vld [tilespmem:$0x1210];
	v0 =	vadd.f32 v39, v0  }
0x102: {  	v45 =	vld [tilespmem:$0x1280];
	v1 =	vadd.f32 v40, v1  }
0x103: {  	v46 =	vld [tilespmem:$0x1290];
	v0 =	vadd.f32 v41, v0  }
0x104: {  	v47 =	vld [tilespmem:$0x1300];
	v1 =	vadd.f32 v42, v1  }
0x105: {  	v48 =	vld [tilespmem:$0x1310];
	v0 =	vadd.f32 v43, v0  }
0x106: {  	v49 =	vld [tilespmem:$0x1380];
	v1 =	vadd.f32 v44, v1  }
0x107: {  	v50 =	vld [tilespmem:$0x1390];
	v0 =	vadd.f32 v45, v0  }
0x108: {  	v51 =	vld [tilespmem:$0x1400];
	v1 =	vadd.f32 v46, v1  }
0x109: {  	v52 =	vld [tilespmem:$0x1410];
	v0 =	vadd.f32 v47, v0  }
0x10a: {  	v53 =	vld [tilespmem:$0x1480];
	v1 =	vadd.f32 v48, v1  }
0x10b: {  	v54 =	vld [tilespmem:$0x1490];
	v0 =	vadd.f32 v49, v0  }
0x10c: {  	v55 =	vld [tilespmem:$0x1500];
	v1 =	vadd.f32 v50, v1  }
0x10d: {  	v56 =	vld [tilespmem:$0x1510];
	v0 =	vadd.f32 v51, v0  }
0x10e: {  	v57 =	vld [tilespmem:$0x1580];
	v1 =	vadd.f32 v52, v1  }
0x10f: {  	v58 =	vld [tilespmem:$0x1590];
	v0 =	vadd.f32 v53, v0  }
0x110: {  	v59 =	vld [tilespmem:$0x1600];
	v1 =	vadd.f32 v54, v1  }
0x111: {  	v60 =	vld [tilespmem:$0x1610];
	v0 =	vadd.f32 v55, v0  }
0x112: {  	v61 =	vld [tilespmem:$0x1680];
	v1 =	vadd.f32 v56, v1  }
0x113: {  	v62 =	vld [tilespmem:$0x1690];
	v0 =	vadd.f32 v57, v0  }
0x114: {  	v1 =	vadd.f32 v58, v1  }
0x115: {  	v0 =	vadd.f32 v59, v0  }
0x116: {  	v1 =	vadd.f32 v60, v1  }
0x117: {  	v0 =	vadd.f32 v61, v0  }
0x118: {  	v1 =	vadd.f32 v62, v1  }
0x119: {  	(v2sf) =	vpush v0, $0x0  }
0x11a: {  	(v2sf) =	vpush v1, $0x0  }
0x11b: {  	(v2sf) =	vpush v0, $0x1  }
0x11c: {  	(v2sf) =	vpush v1, $0x1  }
0x11d: {  	(v2sf) =	vpush v0, $0x2  }
0x11e: {  	(v2sf) =	vpush v1, $0x2  }
0x11f: {  	(v2sf) =	vpush v0, $0x3  }
0x120: {  	(v2sf) =	vpush v1, $0x3  }
0x121: {  	(v2sf) =	vpush v0, $0x4  }
0x122: {  	(v2sf) =	vpush v1, $0x4  }
0x123: {  	(v2sf) =	vpush v0, $0x5  }
0x124: {  	(v2sf) =	vpush v1, $0x5  }
0x125: {  	(v2sf) =	vpush v0, $0x6  }
0x126: {  	(v2sf) =	vpush v1, $0x6  }
0x127: {  	(v2sf) =	vpush v0, $0x7  }
0x128: {  	s23 =	spop (v2sf);
	(v2sf) =	vpush v1, $0x7  }
0x129: {  	s24 =	spop (v2sf);
	(v2sf) =	vpush v0, $0x8  }
0x12a: {  	s6 =	spop (v2sf);
	(v2sf) =	vpush v1, $0x8  }
0x12b: {  	s7 =	spop (v2sf);
	(v2sf) =	vpush v0, $0x9  }
0x12c: {  	s5 =	sadd.f32 s7, s24;
	s25 =	spop (v2sf);
	(v2sf) =	vpush v1, $0x9  }
0x12d: {  	s8 =	spop (v2sf);
	(v2sf) =	vpush v0, $0xA  }
0x12e: {  	s5 =	sadd.f32 s5, s8;
	s26 =	spop (v2sf);
	(v2sf) =	vpush v1, $0xA  }
0x12f: {  	s9 =	spop (v2sf);
	(v2sf) =	vpush v0, $0xB  }
0x130: {  	s5 =	sadd.f32 s5, s9;
	s28 =	spop (v2sf);
	(v2sf) =	vpush v1, $0xB  }
0x131: {  	s10 =	spop (v2sf);
	(v2sf) =	vpush v0, $0xC  }
0x132: {  	s5 =	sadd.f32 s5, s10;
	s29 =	spop (v2sf);
	(v2sf) =	vpush v1, $0xC  }
0x133: {  	s11 =	spop (v2sf);
	(v2sf) =	vpush v0, $0xD  }
0x134: {  	s5 =	sadd.f32 s5, s11;
	s30 =	spop (v2sf);
	(v2sf) =	vpush v1, $0xD  }
0x135: {  	s12 =	spop (v2sf);
	(v2sf) =	vpush v0, $0xE  }
0x136: {  	s5 =	sadd.f32 s5, s12;
	s31 =	spop (v2sf);
	(v2sf) =	vpush v1, $0xE  }
0x137: {  	s13 =	spop (v2sf);
	(v2sf) =	vpush v0, $0xF  }
0x138: {  	s5 =	sadd.f32 s5, s13;
	s16 =	spop (v2sf);
	(v2sf) =	vpush v1, $0xF  }
0x139: {  	s14 =	spop (v2sf)  }
0x13a: {  	s15 =	spop (v2sf);
	s5 =	sadd.f32 s5, s14  }
0x13b: {  	s17 =	spop (v2sf)  }
0x13c: {  	s5 =	sadd.f32 s5, s17;
	s18 =	spop (v2sf)  }
0x13d: {  	s3 =	sadd.f32 s6, s23;
	s19 =	spop (v2sf)  }
0x13e: {  	s5 =	sadd.f32 s5, s19;
	s20 =	spop (v2sf)  }
0x13f: {  	s3 =	sadd.f32 s3, s25;
	s21 =	spop (v2sf)  }
0x140: {  	s5 =	sadd.f32 s5, s21;
	s22 =	spop (v2sf)  }
0x141: {  	s3 =	sadd.f32 s3, s26;
	s23 =	spop (v2sf)  }
0x142: {  	s5 =	sadd.f32 s5, s23;
	s24 =	spop (v2sf)  }
0x143: {  	s3 =	sadd.f32 s3, s28;
	s25 =	spop (v2sf)  }
0x144: {  	s5 =	sadd.f32 s5, s25;
	s26 =	spop (v2sf)  }
0x145: {  	s3 =	sadd.f32 s3, s29;
	s28 =	spop (v2sf)  }
0x146: {  	s5 =	sadd.f32 s5, s28;
	s29 =	spop (v2sf)  }
0x147: {  	s3 =	sadd.f32 s3, s30;
	s30 =	spop (v2sf)  }
0x148: {  	s5 =	sadd.f32 s5, s30  }
0x149: {  	s3 =	sadd.f32 s3, s31  }
0x14a: {  	v63 =	vmov s5  }
0x14b: {  	s3 =	sadd.f32 s3, s16;
	v0 =	vadd.f32 s5, v63;
	_ =	sdelay $0x1  }
0x14c: {  	s3 =	sadd.f32 s3, s15;
	v0 =	vadd.f32 $9.999999740e-05, v0;
	_ =	sdelay $0x1  }
0x14d: {  	s3 =	sadd.f32 s3, s18;
	v0 =	vbroadcast v0, $0x0;
	_ =	sdelay $0x1  }
0x14e: {  	s3 =	sadd.f32 s3, s20;
	(erf) = vrcp.f32 v0;
	_ =	sdelay $0x1  }
0x14f: {  	s3 =	sadd.f32 s3, s22;
	_ =	sdelay $0x1  }
0x150: {  	s3 =	sadd.f32 s3, s24;
	_ =	sdelay $0x1  }
0x151: {  	s3 =	sadd.f32 s3, s26;
	_ =	sdelay $0x1  }
0x152: {  	s3 =	sadd.f32 s3, s29  }
0x153: {  	v0 =	vpop (erf)  }
0x154: {  	v0 =	vmul.f32 s3, v0;
	_ =	sdelay $0x1  }
0x155: {  	s31 =	simm.s32 $0x1800;
	[tilespmem:$0x1800] =	vst v0  }
0x156: {  	[hbm4b:s1+s2] =	stream.linear.scatter [tilespmem:s31], [sflag:$0x6], $0x80, $0x38;
	[tilespmem:$0x1880] =	vst v63  }
0x157: {  	_ =	swait.ge [sflag:s4], $0x80  }
0x158: {  	[sflag:s4] =	ssyncset.done $0x0  }
0x159: {  	[sflag:s4] =	ssyncadd.s32 $0xFFFFFF80  }
0x15a: {  	_ =	sfence.sel $0x180000  }
0x15b: {  	[bflag:$0x0] =	sbarrier.arrive $0xFFFF  }
0x15c: {  	_ =	strace $0x90000047  }
0x15d: {  	s0 =	sadd.s32 $0x100000, s0;
	[bflag:$0x2] =	sbarrier.arrive $0xFFFF  }
0x15e: {  	[sflag:s0] =	ssyncadd.tile.s32 $0x1;
	_ =	shalt  }
.Lfunc_end2:
_tile_overlayer_lowered:
.L_overlay_start_2:
0x15f: {  	(tag) =	ssettag $0x2  }
0x160: {  	s0 =	rddreg [dreg:$0x0];
	s2 =	stileid.u32  }
0x161: {  	s1 =	rddreg [dreg:$0x1];
	p0 =	sne.s32 s2, $0x0  }
0x162: {  	s3 =	rddreg [dreg:$0x2];
	[bflag:$0x3] =	sbarrier.arrive $0xFFFF;
	s2 =	simm.s32 @!p0 $0x1C06  }
0x163: {  	[timem:s3], [sflag:s2] =	dma.local @!p0 [hbm:s0], s1  }
0x164: {  	s0 =	simm.s32 @!p0 $0x6  }
0x165: {  	_ =	swait.ge @!p0 [sflag:s0], s1  }
0x166: {  	s1 =	ssub.s32 @!p0 $0x0, s1;
	[sflag:s0] =	ssyncset.done @!p0 $0x0  }
0x167: {  	[sflag:s0] =	ssyncadd.s32 @!p0 s1  }
0x168: {  	[bflag:$0x3] =	sbarrier.arrive $0xFFFF  }
0x169: {  	_ =	shalt  }

</sc_bundles>
